<compile_context>
chip_gen: v7x
topology: tpu7x:2x2x1
jax: 0.10.2.dev20260603
libtpu: 0.0.44.dev20260713+nightly
codegen_flags: <defaults>
</compile_context>

<pallas_src>
import functools

import jax
import jax.numpy as jnp
from jax import lax
from jax.experimental import pallas as pl
from jax.experimental.pallas import tpu as pltpu
from jax.experimental.pallas import tpu_sc as plsc

N_NODES = 10000
D = 128
N_EDGES = 320000
N_HE = 5000
N_MASK = 2000

NC = 2
NS = 16
L = 16

ROWS_PER_TILE = 640
BLK = 128
NBLK = ROWS_PER_TILE // BLK
FL_PAD = 640
HE_PAD = 6144
HE_SLICE = HE_PAD // NS
EDGES_PER_TILE = N_EDGES // NS
MASK_CHUNKS = N_MASK // L


def _token_body(x_ref, o_ref, acc_ref):
    i = pl.program_id(0)

    @pl.when(i == 0)
    def _():
        acc_ref[...] = jnp.zeros_like(acc_ref)

    acc_ref[...] += jnp.sum(x_ref[...], axis=0, keepdims=True)

    @pl.when(i == pl.num_programs(0) - 1)
    def _():
        o_ref[...] = acc_ref[...] * (1.0 / N_NODES)


def _compute_token(x):
    return pl.pallas_call(
        _token_body,
        grid=(2,),
        in_specs=[pl.BlockSpec((N_NODES // 2, D), lambda i: (i, 0))],
        out_specs=pl.BlockSpec((1, D), lambda i: (0, 0)),
        out_shape=jax.ShapeDtypeStruct((1, D), jnp.float32),
        scratch_shapes=[pltpu.VMEM((1, D), jnp.float32)],
    )(x)


_sc_mesh = plsc.VectorSubcoreMesh(
    core_axis_name="c", subcore_axis_name="s", num_cores=NC, num_subcores=NS)


@functools.partial(
    pl.kernel,
    out_type=(
        jax.ShapeDtypeStruct((N_NODES, D), jnp.float32),
        jax.ShapeDtypeStruct((N_HE,), jnp.int32),
    ),
    mesh=_sc_mesh,
    scratch_types=[
        pltpu.VMEM((EDGES_PER_TILE,), jnp.int32),
        pltpu.VMEM((HE_PAD,), jnp.int32),
        pltpu.VMEM((NS, HE_SLICE), jnp.int32),
        pltpu.VMEM((BLK, D), jnp.float32),
        pltpu.VMEM((BLK, D), jnp.float32),
        pltpu.VMEM((BLK, D), jnp.float32),
        pltpu.VMEM((D,), jnp.float32),
        pltpu.VMEM((N_MASK,), jnp.int32),
        pltpu.VMEM((HE_SLICE,), jnp.int32),
        pltpu.VMEM((FL_PAD,), jnp.int32),
        pltpu.VMEM_SHARED((NS, HE_PAD), jnp.int32),
        pltpu.SemaphoreType.DMA,
        pltpu.SemaphoreType.DMA,
        pltpu.SemaphoreType.DMA,
        pltpu.SemaphoreType.DMA,
        pltpu.SemaphoreType.DMA,
        pltpu.SemaphoreType.DMA,
    ],
    compiler_params=pltpu.CompilerParams(needs_layout_passes=False),
)
def _sc_kernel(x_hbm, ehe_hbm, idxm_hbm, tok_hbm, xm_hbm, he_hbm,
               ehe_v, ind_v, red_v, xb0, xb1, xb2, tok_v, idxm_v, heo_v,
               fl_v, shared, isem0, isem1, isem2, osem0, osem1, osem2):
    c = lax.axis_index("c")
    s = lax.axis_index("s")

    ones = jnp.ones((L,), jnp.int32)
    zeros = jnp.zeros((L,), jnp.int32)

    @pl.when(c == 0)
    def _():
        pltpu.sync_copy(
            ehe_hbm.at[pl.ds(s * EDGES_PER_TILE, EDGES_PER_TILE)], ehe_v)

        def zero_body(i, carry):
            ind_v[pl.ds(i * L, L)] = zeros
            return carry
        lax.fori_loop(0, HE_PAD // L, zero_body, 0)

        def scat_body(i, carry):
            for k in range(10):
                idx = ehe_v[pl.ds(i * (10 * L) + k * L, L)]
                plsc.store_scatter(ind_v, [idx], ones)
            return carry
        lax.fori_loop(0, EDGES_PER_TILE // (10 * L), scat_body, 0)

        pltpu.sync_copy(ind_v, shared.at[s])

    plsc.subcore_barrier()

    @pl.when(c == 0)
    def _():
        pltpu.sync_copy(shared.at[:, pl.ds(s * HE_SLICE, HE_SLICE)], red_v)

        def red_body(k, carry):
            acc = red_v[0, pl.ds(k * L, L)]
            for j in range(1, NS):
                acc = acc | red_v[j, pl.ds(k * L, L)]
            heo_v[pl.ds(k * L, L)] = acc
            return carry
        lax.fori_loop(0, HE_SLICE // L, red_body, 0)

        @pl.when(s <= 12)
        def _():
            pltpu.sync_copy(heo_v, he_hbm.at[pl.ds(s * HE_SLICE, HE_SLICE)])

        @pl.when(s == 13)
        def _():
            pltpu.sync_copy(heo_v.at[pl.ds(0, 8)],
                            he_hbm.at[pl.ds(13 * HE_SLICE, 8)])

    @pl.when(c == 1)
    def _():
        r0 = jnp.minimum(s * ROWS_PER_TILE, N_NODES - ROWS_PER_TILE)

        def start_in_early(g, buf, sem):
            return pltpu.async_copy(
                x_hbm.at[pl.ds(r0 + g * BLK, BLK)], buf, sem)

        in0 = start_in_early(0, xb0, isem0)
        in1 = start_in_early(1, xb1, isem1)
        pltpu.sync_copy(tok_hbm, tok_v)
        pltpu.sync_copy(idxm_hbm, idxm_v)

        for i in range(FL_PAD // L):
            fl_v[pl.ds(i * L, L)] = zeros

        def mask_body(i, carry):
            iv = idxm_v[pl.ds(i * L, L)]
            rel = iv - r0
            inb = (rel >= 0) & (rel < ROWS_PER_TILE)
            relc = jnp.clip(rel, 0, ROWS_PER_TILE - 1)
            plsc.store_scatter(fl_v, [relc], ones, mask=inb)
            return carry
        lax.fori_loop(0, MASK_CHUNKS, mask_body, 0)

        tvs = [tok_v[pl.ds(ch * L, L)] for ch in range(D // L)]
        bufs = [xb0, xb1, xb2]
        isems = [isem0, isem1, isem2]
        osems = [osem0, osem1, osem2]
        NBUF = 3

        def start_in(g):
            return pltpu.async_copy(
                x_hbm.at[pl.ds(r0 + g * BLK, BLK)], bufs[g % NBUF],
                isems[g % NBUF])

        def process(g):
            buf = bufs[g % NBUF]

            def sel_body(r, carry):
                for u in range(2):
                    fl = plsc.load_gather(
                        fl_v,
                        [jnp.full((L,), g * BLK + u, jnp.int32) + 2 * r])
                    pred = fl > 0
                    for ch in range(D // L):
                        plsc.store_compressed(
                            buf.at[2 * r + u, pl.ds(ch * L, L)],
                            tvs[ch], mask=pred)
                return carry
            lax.fori_loop(0, BLK // 2, sel_body, 0)

        def start_out(g):
            return pltpu.async_copy(
                bufs[g % NBUF], xm_hbm.at[pl.ds(r0 + g * BLK, BLK)],
                osems[g % NBUF])

        in_cp = {0: in0, 1: in1}
        out_cp = {}
        for g in range(NBLK):
            in_cp[g].wait()
            process(g)
            out_cp[g] = start_out(g)
            if g + 2 < NBLK:
                if g - 1 >= 0:
                    out_cp[g - 1].wait()
                in_cp[g + 2] = start_in(g + 2)
        for g in range(max(0, NBLK - 3), NBLK):
            out_cp[g].wait()


def kernel(x, edge_node, edge_he, idx_mask, num_hyperedges):
    token = _compute_token(x).reshape(D)
    xm, he = _sc_kernel(x, edge_he, idx_mask, token)
    return xm, he

# --- scband reference (transcript-rebuilt; emitter-appended) ---
"""Pipeline reference for scband-hyper-gcl-louvain-p-da-79370995630451 (READ-ONLY COPY).

The authoritative reference and input builder live on the scoring server;
editing this copy changes nothing except your own understanding.
"""

import jax, jax.numpy as jnp
import numpy as np

N_NODES = 10000
D_FEAT = 128
N_EDGES = 320000
N_HYPEREDGES = 5000
AUG_RATIO = 0.2


def setup_inputs(seed: int = 0) -> dict:
    key = jax.random.key(seed)
    k1, k2, k3, k4 = jax.random.split(key, 4)
    x = jax.random.normal(k1, (N_NODES, D_FEAT), dtype=jnp.float32)
    # incidence pairs: (node_id, hyperedge_id); torch stores row1 offset by node_num,
    # here we keep the raw hyperedge id and re-apply the offset inside reference.
    edge_node = jax.random.randint(k2, (N_EDGES,), 0, N_NODES)
    edge_he = jax.random.randint(k3, (N_EDGES,), 0, N_HYPEREDGES)
    mask_num = int(N_NODES * AUG_RATIO)
    idx_mask = jax.random.randint(k4, (mask_num,), 0, N_NODES)
    return {
        "x": x,
        "edge_node": edge_node,
        "edge_he": edge_he,
        "idx_mask": idx_mask,
        "num_hyperedges": N_HYPEREDGES,
    }


def reference(x, edge_node, edge_he, idx_mask, num_hyperedges):
    # Faithful jax translation of the 'mask' augmentation branch of
    # HyperGCL aug(): mask_nodes(data, aug_ratio).
    node_num = x.shape[0]
    # token = data.x.mean(dim=0); data.x[idx_mask] = token
    token = jnp.mean(x, axis=0)
    x_masked = x.at[idx_mask].set(token)
    # sampled hyperedge set:
    # edge_index[1] values with node_num-1 < v < node_num + num_hyperedges.
    # Returned as a fixed-size 0/1 indicator over hyperedge ids (set semantics)
    # instead of a variable-length sorted python list.
    row1 = edge_he + node_num
    valid = (row1 < node_num + num_hyperedges) & (row1 > node_num - 1)
    he_ids = jnp.where(valid, edge_he, 0)
    he_indicator = jnp.zeros((N_HYPEREDGES,), dtype=jnp.int32).at[he_ids].max(
        valid.astype(jnp.int32)
    )
    return (x_masked, he_indicator)


if False:  # reference __main__ guard neutralized (emitter)
    inp = setup_inputs()
    out = reference(**inp)
    print(out[0].shape, out[1].shape)

if __name__ == "__main__":
    import jax
    _d = setup_inputs()
    print(jax.jit(kernel)(*tuple(_d.values())))

</pallas_src>

<mosaic_0001>
#map = affine_map<(d0, d1) -> (0, 0)>
#map1 = affine_map<(d0, d1) -> (0)>
module attributes {stable_mosaic.version = 14 : i64} {
  func.func @_sc_kernel(%arg0: i32, %arg1: i32, %arg2: memref<10000x128xf32, #tpu.memory_space<hbm>>, %arg3: memref<320000xi32, #tpu.memory_space<hbm>>, %arg4: memref<2000xi32, #tpu.memory_space<hbm>>, %arg5: memref<128xf32, #tpu.memory_space<hbm>>, %arg6: memref<10000x128xf32, #tpu.memory_space<hbm>>, %arg7: memref<5000xi32, #tpu.memory_space<hbm>>, %arg8: memref<20000xi32, #tpu.memory_space<vmem>>, %arg9: memref<6144xi32, #tpu.memory_space<vmem>>, %arg10: memref<16x384xi32, #tpu.memory_space<vmem>>, %arg11: memref<128x128xf32, #tpu.memory_space<vmem>>, %arg12: memref<128x128xf32, #tpu.memory_space<vmem>>, %arg13: memref<128x128xf32, #tpu.memory_space<vmem>>, %arg14: memref<128xf32, #tpu.memory_space<vmem>>, %arg15: memref<2000xi32, #tpu.memory_space<vmem>>, %arg16: memref<384xi32, #tpu.memory_space<vmem>>, %arg17: memref<640xi32, #tpu.memory_space<vmem>>, %arg18: memref<16x6144xi32, #tpu.memory_space<vmem_shared>>, %arg19: memref<!tpu.dma_semaphore, #tpu.memory_space<semaphore_mem>>, %arg20: memref<!tpu.dma_semaphore, #tpu.memory_space<semaphore_mem>>, %arg21: memref<!tpu.dma_semaphore, #tpu.memory_space<semaphore_mem>>, %arg22: memref<!tpu.dma_semaphore, #tpu.memory_space<semaphore_mem>>, %arg23: memref<!tpu.dma_semaphore, #tpu.memory_space<semaphore_mem>>, %arg24: memref<!tpu.dma_semaphore, #tpu.memory_space<semaphore_mem>>) attributes {dimension_semantics = [#tpu.dimension_semantics<core_parallel>, #tpu.dimension_semantics<subcore_parallel>], iteration_bounds = array<i64: 2, 16>, scalar_prefetch = 0 : i64, scratch_operands = 17 : i64, tpu.core_type = #tpu.core_type<sc_vector_subcore>, window_params = [{transform_indices = #map}, {transform_indices = #map1}, {transform_indices = #map1}, {transform_indices = #map1}, {transform_indices = #map}, {transform_indices = #map1}]} {
    %broadcast_in_dim3A = arith.constant 1 : i32
    %broadcast_in_dim3A_0 = vector.broadcast %broadcast_in_dim3A : i32 to vector<16xi32>
    %broadcast_in_dim3A_1 = arith.constant 0 : i32
    %broadcast_in_dim3A_2 = vector.broadcast %broadcast_in_dim3A_1 : i32 to vector<16xi32>
    %eq3A = arith.constant 0 : i32
    %eq3A_3 = arith.cmpi eq, %arg0, %eq3A : i32
    %convert_element_type3A = arith.extui %eq3A_3 : i1 to i32
    %cond3A = arith.constant 0 : i32
    %cond3A_4 = arith.cmpi ne, %convert_element_type3A, %cond3A : i32
    scf.if %cond3A_4 {
      %mul3A = arith.constant 20000 : i32
      %mul3A_15 = arith.muli %arg1, %mul3A : i32
      "tpu.region"() ({
        %run_scoped3A = tpu.sem_alloc : memref<!tpu.dma_semaphore, #tpu.memory_space<semaphore_mem>>
        %dma_start3A = tpu.memref_slice %arg3[%mul3A_15] : memref<320000xi32, #tpu.memory_space<hbm>> -> memref<20000xi32, #tpu.memory_space<hbm>>
        %dma_start3A_27 = tpu.memref_slice %arg3[%mul3A_15] : memref<320000xi32, #tpu.memory_space<hbm>> -> memref<20000xi32, #tpu.memory_space<hbm>>
        tpu.enqueue_dma source(%dma_start3A_27 : memref<20000xi32, #tpu.memory_space<hbm>>) target(%arg8 : memref<20000xi32, #tpu.memory_space<vmem>>) target_semaphore(%run_scoped3A : memref<!tpu.dma_semaphore, #tpu.memory_space<semaphore_mem>>)
        %dma_wait3A = tpu.memref_slice %arg3[%mul3A_15] : memref<320000xi32, #tpu.memory_space<hbm>> -> memref<20000xi32, #tpu.memory_space<hbm>>
        %dma_wait3A_28 = tpu.memref_slice %arg3[%mul3A_15] : memref<320000xi32, #tpu.memory_space<hbm>> -> memref<20000xi32, #tpu.memory_space<hbm>>
        tpu.wait_dma2 semaphore(%run_scoped3A : memref<!tpu.dma_semaphore, #tpu.memory_space<semaphore_mem>>) src(%dma_wait3A_28 : memref<20000xi32, #tpu.memory_space<hbm>>) dst(%arg8 : memref<20000xi32, #tpu.memory_space<vmem>>)
        tpu.yield
      }) : () -> ()
      %scan3A = arith.constant 0 : i32
      %scan3A_16 = arith.constant 0 : i32
      %scan3A_17 = arith.constant 384 : i32
      %scan3A_18 = arith.addi %scan3A_16, %scan3A_17 : i32
      %scan3A_19 = arith.constant 1 : i32
      scf.for %scan3A_27 = %scan3A_16 to %scan3A_18 step %scan3A_19  : i32 {
        %mul3A_28 = arith.constant 16 : i32
        %mul3A_29 = arith.muli %scan3A_27, %mul3A_28 : i32
        %swap3A = arith.index_cast %mul3A_29 : i32 to index
        %swap3A_30 = tpu.vector_load %arg9[%swap3A] {strides = array<i32>} : memref<6144xi32, #tpu.memory_space<vmem>>, vector<16xi32>,
        tpu.vector_store %arg9[%swap3A], %broadcast_in_dim3A_2 {strides = array<i32>} : memref<6144xi32, #tpu.memory_space<vmem>>, vector<16xi32>,
      }
      %scan3A_20 = arith.constant 384 : i32
      %scan3A_21 = arith.constant 0 : i32
      %scan3A_22 = arith.constant 0 : i32
      %scan3A_23 = arith.constant 125 : i32
      %scan3A_24 = arith.addi %scan3A_22, %scan3A_23 : i32
      %scan3A_25 = arith.constant 1 : i32
      scf.for %scan3A_27 = %scan3A_22 to %scan3A_24 step %scan3A_25  : i32 {
        %mul3A_28 = arith.constant 160 : i32
        %mul3A_29 = arith.muli %scan3A_27, %mul3A_28 : i32
        %add3A = arith.constant 0 : i32
        %add3A_30 = arith.addi %mul3A_29, %add3A : i32
        %get3A = arith.index_cast %add3A_30 : i32 to index
        %get3A_31 = tpu.vector_load %arg8[%get3A] {strides = array<i32>} : memref<20000xi32, #tpu.memory_space<vmem>>, vector<16xi32>,
        tpu.vector_store_idx %arg9[%get3A_31], %broadcast_in_dim3A_0 : memref<6144xi32, #tpu.memory_space<vmem>>[vector<16xi32>], vector<16xi32>,
        %mul3A_32 = arith.constant 160 : i32
        %mul3A_33 = arith.muli %scan3A_27, %mul3A_32 : i32
        %add3A_34 = arith.constant 16 : i32
        %add3A_35 = arith.addi %mul3A_33, %add3A_34 : i32
        %get3A_36 = arith.index_cast %add3A_35 : i32 to index
        %get3A_37 = tpu.vector_load %arg8[%get3A_36] {strides = array<i32>} : memref<20000xi32, #tpu.memory_space<vmem>>, vector<16xi32>,
        tpu.vector_store_idx %arg9[%get3A_37], %broadcast_in_dim3A_0 : memref<6144xi32, #tpu.memory_space<vmem>>[vector<16xi32>], vector<16xi32>,
        %mul3A_38 = arith.constant 160 : i32
        %mul3A_39 = arith.muli %scan3A_27, %mul3A_38 : i32
        %add3A_40 = arith.constant 32 : i32
        %add3A_41 = arith.addi %mul3A_39, %add3A_40 : i32
        %get3A_42 = arith.index_cast %add3A_41 : i32 to index
        %get3A_43 = tpu.vector_load %arg8[%get3A_42] {strides = array<i32>} : memref<20000xi32, #tpu.memory_space<vmem>>, vector<16xi32>,
        tpu.vector_store_idx %arg9[%get3A_43], %broadcast_in_dim3A_0 : memref<6144xi32, #tpu.memory_space<vmem>>[vector<16xi32>], vector<16xi32>,
        %mul3A_44 = arith.constant 160 : i32
        %mul3A_45 = arith.muli %scan3A_27, %mul3A_44 : i32
        %add3A_46 = arith.constant 48 : i32
        %add3A_47 = arith.addi %mul3A_45, %add3A_46 : i32
        %get3A_48 = arith.index_cast %add3A_47 : i32 to index
        %get3A_49 = tpu.vector_load %arg8[%get3A_48] {strides = array<i32>} : memref<20000xi32, #tpu.memory_space<vmem>>, vector<16xi32>,
        tpu.vector_store_idx %arg9[%get3A_49], %broadcast_in_dim3A_0 : memref<6144xi32, #tpu.memory_space<vmem>>[vector<16xi32>], vector<16xi32>,
        %mul3A_50 = arith.constant 160 : i32
        %mul3A_51 = arith.muli %scan3A_27, %mul3A_50 : i32
        %add3A_52 = arith.constant 64 : i32
        %add3A_53 = arith.addi %mul3A_51, %add3A_52 : i32
        %get3A_54 = arith.index_cast %add3A_53 : i32 to index
        %get3A_55 = tpu.vector_load %arg8[%get3A_54] {strides = array<i32>} : memref<20000xi32, #tpu.memory_space<vmem>>, vector<16xi32>,
        tpu.vector_store_idx %arg9[%get3A_55], %broadcast_in_dim3A_0 : memref<6144xi32, #tpu.memory_space<vmem>>[vector<16xi32>], vector<16xi32>,
        %mul3A_56 = arith.constant 160 : i32
        %mul3A_57 = arith.muli %scan3A_27, %mul3A_56 : i32
        %add3A_58 = arith.constant 80 : i32
        %add3A_59 = arith.addi %mul3A_57, %add3A_58 : i32
        %get3A_60 = arith.index_cast %add3A_59 : i32 to index
        %get3A_61 = tpu.vector_load %arg8[%get3A_60] {strides = array<i32>} : memref<20000xi32, #tpu.memory_space<vmem>>, vector<16xi32>,
        tpu.vector_store_idx %arg9[%get3A_61], %broadcast_in_dim3A_0 : memref<6144xi32, #tpu.memory_space<vmem>>[vector<16xi32>], vector<16xi32>,
        %mul3A_62 = arith.constant 160 : i32
        %mul3A_63 = arith.muli %scan3A_27, %mul3A_62 : i32
        %add3A_64 = arith.constant 96 : i32
        %add3A_65 = arith.addi %mul3A_63, %add3A_64 : i32
        %get3A_66 = arith.index_cast %add3A_65 : i32 to index
        %get3A_67 = tpu.vector_load %arg8[%get3A_66] {strides = array<i32>} : memref<20000xi32, #tpu.memory_space<vmem>>, vector<16xi32>,
        tpu.vector_store_idx %arg9[%get3A_67], %broadcast_in_dim3A_0 : memref<6144xi32, #tpu.memory_space<vmem>>[vector<16xi32>], vector<16xi32>,
        %mul3A_68 = arith.constant 160 : i32
        %mul3A_69 = arith.muli %scan3A_27, %mul3A_68 : i32
        %add3A_70 = arith.constant 112 : i32
        %add3A_71 = arith.addi %mul3A_69, %add3A_70 : i32
        %get3A_72 = arith.index_cast %add3A_71 : i32 to index
        %get3A_73 = tpu.vector_load %arg8[%get3A_72] {strides = array<i32>} : memref<20000xi32, #tpu.memory_space<vmem>>, vector<16xi32>,
        tpu.vector_store_idx %arg9[%get3A_73], %broadcast_in_dim3A_0 : memref<6144xi32, #tpu.memory_space<vmem>>[vector<16xi32>], vector<16xi32>,
        %mul3A_74 = arith.constant 160 : i32
        %mul3A_75 = arith.muli %scan3A_27, %mul3A_74 : i32
        %add3A_76 = arith.constant 128 : i32
        %add3A_77 = arith.addi %mul3A_75, %add3A_76 : i32
        %get3A_78 = arith.index_cast %add3A_77 : i32 to index
        %get3A_79 = tpu.vector_load %arg8[%get3A_78] {strides = array<i32>} : memref<20000xi32, #tpu.memory_space<vmem>>, vector<16xi32>,
        tpu.vector_store_idx %arg9[%get3A_79], %broadcast_in_dim3A_0 : memref<6144xi32, #tpu.memory_space<vmem>>[vector<16xi32>], vector<16xi32>,
        %mul3A_80 = arith.constant 160 : i32
        %mul3A_81 = arith.muli %scan3A_27, %mul3A_80 : i32
        %add3A_82 = arith.constant 144 : i32
        %add3A_83 = arith.addi %mul3A_81, %add3A_82 : i32
        %get3A_84 = arith.index_cast %add3A_83 : i32 to index
        %get3A_85 = tpu.vector_load %arg8[%get3A_84] {strides = array<i32>} : memref<20000xi32, #tpu.memory_space<vmem>>, vector<16xi32>,
        tpu.vector_store_idx %arg9[%get3A_85], %broadcast_in_dim3A_0 : memref<6144xi32, #tpu.memory_space<vmem>>[vector<16xi32>], vector<16xi32>,
      }
      %scan3A_26 = arith.constant 125 : i32
      "tpu.region"() ({
        %run_scoped3A = tpu.sem_alloc : memref<!tpu.dma_semaphore, #tpu.memory_space<semaphore_mem>>
        %dma_start3A = arith.constant 0 : i32
        %dma_start3A_27 = tpu.memref_slice %arg18[%arg1, %dma_start3A] : memref<16x6144xi32, #tpu.memory_space<vmem_shared>> -> memref<1x6144xi32, #tpu.memory_space<vmem_shared>>
        %dma_start3A_28 = tpu.memref_squeeze %dma_start3A_27 : memref<1x6144xi32, #tpu.memory_space<vmem_shared>> -> memref<6144xi32, #tpu.memory_space<vmem_shared>>
        %dma_start3A_29 = arith.constant 0 : i32
        %dma_start3A_30 = tpu.memref_slice %arg18[%arg1, %dma_start3A_29] : memref<16x6144xi32, #tpu.memory_space<vmem_shared>> -> memref<1x6144xi32, #tpu.memory_space<vmem_shared>>
        %dma_start3A_31 = tpu.memref_squeeze %dma_start3A_30 : memref<1x6144xi32, #tpu.memory_space<vmem_shared>> -> memref<6144xi32, #tpu.memory_space<vmem_shared>>
        tpu.enqueue_dma source(%arg9 : memref<6144xi32, #tpu.memory_space<vmem>>) target(%dma_start3A_31 : memref<6144xi32, #tpu.memory_space<vmem_shared>>) target_semaphore(%run_scoped3A : memref<!tpu.dma_semaphore, #tpu.memory_space<semaphore_mem>>)
        %dma_wait3A = arith.constant 0 : i32
        %dma_wait3A_32 = tpu.memref_slice %arg18[%arg1, %dma_wait3A] : memref<16x6144xi32, #tpu.memory_space<vmem_shared>> -> memref<1x6144xi32, #tpu.memory_space<vmem_shared>>
        %dma_wait3A_33 = tpu.memref_squeeze %dma_wait3A_32 : memref<1x6144xi32, #tpu.memory_space<vmem_shared>> -> memref<6144xi32, #tpu.memory_space<vmem_shared>>
        %dma_wait3A_34 = arith.constant 0 : i32
        %dma_wait3A_35 = tpu.memref_slice %arg18[%arg1, %dma_wait3A_34] : memref<16x6144xi32, #tpu.memory_space<vmem_shared>> -> memref<1x6144xi32, #tpu.memory_space<vmem_shared>>
        %dma_wait3A_36 = tpu.memref_squeeze %dma_wait3A_35 : memref<1x6144xi32, #tpu.memory_space<vmem_shared>> -> memref<6144xi32, #tpu.memory_space<vmem_shared>>
        tpu.wait_dma2 semaphore(%run_scoped3A : memref<!tpu.dma_semaphore, #tpu.memory_space<semaphore_mem>>) src(%arg9 : memref<6144xi32, #tpu.memory_space<vmem>>) dst(%dma_wait3A_36 : memref<6144xi32, #tpu.memory_space<vmem_shared>>)
        tpu.yield
      }) : () -> ()
    } else {
    }
    %barrier3A = arith.constant 0 : index
    tpu.barrier barrier_id(%barrier3A)
    %eq3A_5 = arith.constant 0 : i32
    %eq3A_6 = arith.cmpi eq, %arg0, %eq3A_5 : i32
    %convert_element_type3A_7 = arith.extui %eq3A_6 : i1 to i32
    %cond3A_8 = arith.constant 0 : i32
    %cond3A_9 = arith.cmpi ne, %convert_element_type3A_7, %cond3A_8 : i32
    scf.if %cond3A_9 {
      %mul3A = arith.constant 384 : i32
      %mul3A_15 = arith.muli %arg1, %mul3A : i32
      "tpu.region"() ({
        %run_scoped3A = tpu.sem_alloc : memref<!tpu.dma_semaphore, #tpu.memory_space<semaphore_mem>>
        %dma_start3A = arith.constant 0 : i32
        %dma_start3A_30 = tpu.memref_slice %arg18[%dma_start3A, %mul3A_15] : memref<16x6144xi32, #tpu.memory_space<vmem_shared>> -> memref<16x384xi32, #tpu.memory_space<vmem_shared>>
        %dma_start3A_31 = arith.constant 0 : i32
        %dma_start3A_32 = tpu.memref_slice %arg18[%dma_start3A_31, %mul3A_15] : memref<16x6144xi32, #tpu.memory_space<vmem_shared>> -> memref<16x384xi32, #tpu.memory_space<vmem_shared>>
        tpu.enqueue_dma source(%dma_start3A_32 : memref<16x384xi32, #tpu.memory_space<vmem_shared>>) target(%arg10 : memref<16x384xi32, #tpu.memory_space<vmem>>) target_semaphore(%run_scoped3A : memref<!tpu.dma_semaphore, #tpu.memory_space<semaphore_mem>>)
        %dma_wait3A = arith.constant 0 : i32
        %dma_wait3A_33 = tpu.memref_slice %arg18[%dma_wait3A, %mul3A_15] : memref<16x6144xi32, #tpu.memory_space<vmem_shared>> -> memref<16x384xi32, #tpu.memory_space<vmem_shared>>
        %dma_wait3A_34 = arith.constant 0 : i32
        %dma_wait3A_35 = tpu.memref_slice %arg18[%dma_wait3A_34, %mul3A_15] : memref<16x6144xi32, #tpu.memory_space<vmem_shared>> -> memref<16x384xi32, #tpu.memory_space<vmem_shared>>
        tpu.wait_dma2 semaphore(%run_scoped3A : memref<!tpu.dma_semaphore, #tpu.memory_space<semaphore_mem>>) src(%dma_wait3A_35 : memref<16x384xi32, #tpu.memory_space<vmem_shared>>) dst(%arg10 : memref<16x384xi32, #tpu.memory_space<vmem>>)
        tpu.yield
      }) : () -> ()
      %scan3A = arith.constant 0 : i32
      %scan3A_16 = arith.constant 0 : i32
      %scan3A_17 = arith.constant 24 : i32
      %scan3A_18 = arith.addi %scan3A_16, %scan3A_17 : i32
      %scan3A_19 = arith.constant 1 : i32
      scf.for %scan3A_30 = %scan3A_16 to %scan3A_18 step %scan3A_19  : i32 {
        %mul3A_31 = arith.constant 16 : i32
        %mul3A_32 = arith.muli %scan3A_30, %mul3A_31 : i32
        %get3A = arith.constant 0 : i32
        %get3A_33 = arith.index_cast %get3A : i32 to index
        %get3A_34 = arith.index_cast %mul3A_32 : i32 to index
        %get3A_35 = tpu.vector_load %arg10[%get3A_33, %get3A_34] {strides = array<i32>} : memref<16x384xi32, #tpu.memory_space<vmem>>, vector<16xi32>,
        %mul3A_36 = arith.constant 16 : i32
        %mul3A_37 = arith.muli %scan3A_30, %mul3A_36 : i32
        %get3A_38 = arith.constant 1 : i32
        %get3A_39 = arith.index_cast %get3A_38 : i32 to index
        %get3A_40 = arith.index_cast %mul3A_37 : i32 to index
        %get3A_41 = tpu.vector_load %arg10[%get3A_39, %get3A_40] {strides = array<i32>} : memref<16x384xi32, #tpu.memory_space<vmem>>, vector<16xi32>,
        %or3A = arith.ori %get3A_35, %get3A_41 : vector<16xi32>
        %mul3A_42 = arith.constant 16 : i32
        %mul3A_43 = arith.muli %scan3A_30, %mul3A_42 : i32
        %get3A_44 = arith.constant 2 : i32
        %get3A_45 = arith.index_cast %get3A_44 : i32 to index
        %get3A_46 = arith.index_cast %mul3A_43 : i32 to index
        %get3A_47 = tpu.vector_load %arg10[%get3A_45, %get3A_46] {strides = array<i32>} : memref<16x384xi32, #tpu.memory_space<vmem>>, vector<16xi32>,
        %or3A_48 = arith.ori %or3A, %get3A_47 : vector<16xi32>
        %mul3A_49 = arith.constant 16 : i32
        %mul3A_50 = arith.muli %scan3A_30, %mul3A_49 : i32
        %get3A_51 = arith.constant 3 : i32
        %get3A_52 = arith.index_cast %get3A_51 : i32 to index
        %get3A_53 = arith.index_cast %mul3A_50 : i32 to index
        %get3A_54 = tpu.vector_load %arg10[%get3A_52, %get3A_53] {strides = array<i32>} : memref<16x384xi32, #tpu.memory_space<vmem>>, vector<16xi32>,
        %or3A_55 = arith.ori %or3A_48, %get3A_54 : vector<16xi32>
        %mul3A_56 = arith.constant 16 : i32
        %mul3A_57 = arith.muli %scan3A_30, %mul3A_56 : i32
        %get3A_58 = arith.constant 4 : i32
        %get3A_59 = arith.index_cast %get3A_58 : i32 to index
        %get3A_60 = arith.index_cast %mul3A_57 : i32 to index
        %get3A_61 = tpu.vector_load %arg10[%get3A_59, %get3A_60] {strides = array<i32>} : memref<16x384xi32, #tpu.memory_space<vmem>>, vector<16xi32>,
        %or3A_62 = arith.ori %or3A_55, %get3A_61 : vector<16xi32>
        %mul3A_63 = arith.constant 16 : i32
        %mul3A_64 = arith.muli %scan3A_30, %mul3A_63 : i32
        %get3A_65 = arith.constant 5 : i32
        %get3A_66 = arith.index_cast %get3A_65 : i32 to index
        %get3A_67 = arith.index_cast %mul3A_64 : i32 to index
        %get3A_68 = tpu.vector_load %arg10[%get3A_66, %get3A_67] {strides = array<i32>} : memref<16x384xi32, #tpu.memory_space<vmem>>, vector<16xi32>,
        %or3A_69 = arith.ori %or3A_62, %get3A_68 : vector<16xi32>
        %mul3A_70 = arith.constant 16 : i32
        %mul3A_71 = arith.muli %scan3A_30, %mul3A_70 : i32
        %get3A_72 = arith.constant 6 : i32
        %get3A_73 = arith.index_cast %get3A_72 : i32 to index
        %get3A_74 = arith.index_cast %mul3A_71 : i32 to index
        %get3A_75 = tpu.vector_load %arg10[%get3A_73, %get3A_74] {strides = array<i32>} : memref<16x384xi32, #tpu.memory_space<vmem>>, vector<16xi32>,
        %or3A_76 = arith.ori %or3A_69, %get3A_75 : vector<16xi32>
        %mul3A_77 = arith.constant 16 : i32
        %mul3A_78 = arith.muli %scan3A_30, %mul3A_77 : i32
        %get3A_79 = arith.constant 7 : i32
        %get3A_80 = arith.index_cast %get3A_79 : i32 to index
        %get3A_81 = arith.index_cast %mul3A_78 : i32 to index
        %get3A_82 = tpu.vector_load %arg10[%get3A_80, %get3A_81] {strides = array<i32>} : memref<16x384xi32, #tpu.memory_space<vmem>>, vector<16xi32>,
        %or3A_83 = arith.ori %or3A_76, %get3A_82 : vector<16xi32>
        %mul3A_84 = arith.constant 16 : i32
        %mul3A_85 = arith.muli %scan3A_30, %mul3A_84 : i32
        %get3A_86 = arith.constant 8 : i32
        %get3A_87 = arith.index_cast %get3A_86 : i32 to index
        %get3A_88 = arith.index_cast %mul3A_85 : i32 to index
        %get3A_89 = tpu.vector_load %arg10[%get3A_87, %get3A_88] {strides = array<i32>} : memref<16x384xi32, #tpu.memory_space<vmem>>, vector<16xi32>,
        %or3A_90 = arith.ori %or3A_83, %get3A_89 : vector<16xi32>
        %mul3A_91 = arith.constant 16 : i32
        %mul3A_92 = arith.muli %scan3A_30, %mul3A_91 : i32
        %get3A_93 = arith.constant 9 : i32
        %get3A_94 = arith.index_cast %get3A_93 : i32 to index
        %get3A_95 = arith.index_cast %mul3A_92 : i32 to index
        %get3A_96 = tpu.vector_load %arg10[%get3A_94, %get3A_95] {strides = array<i32>} : memref<16x384xi32, #tpu.memory_space<vmem>>, vector<16xi32>,
        %or3A_97 = arith.ori %or3A_90, %get3A_96 : vector<16xi32>
        %mul3A_98 = arith.constant 16 : i32
        %mul3A_99 = arith.muli %scan3A_30, %mul3A_98 : i32
        %get3A_100 = arith.constant 10 : i32
        %get3A_101 = arith.index_cast %get3A_100 : i32 to index
        %get3A_102 = arith.index_cast %mul3A_99 : i32 to index
        %get3A_103 = tpu.vector_load %arg10[%get3A_101, %get3A_102] {strides = array<i32>} : memref<16x384xi32, #tpu.memory_space<vmem>>, vector<16xi32>,
        %or3A_104 = arith.ori %or3A_97, %get3A_103 : vector<16xi32>
        %mul3A_105 = arith.constant 16 : i32
        %mul3A_106 = arith.muli %scan3A_30, %mul3A_105 : i32
        %get3A_107 = arith.constant 11 : i32
        %get3A_108 = arith.index_cast %get3A_107 : i32 to index
        %get3A_109 = arith.index_cast %mul3A_106 : i32 to index
        %get3A_110 = tpu.vector_load %arg10[%get3A_108, %get3A_109] {strides = array<i32>} : memref<16x384xi32, #tpu.memory_space<vmem>>, vector<16xi32>,
        %or3A_111 = arith.ori %or3A_104, %get3A_110 : vector<16xi32>
        %mul3A_112 = arith.constant 16 : i32
        %mul3A_113 = arith.muli %scan3A_30, %mul3A_112 : i32
        %get3A_114 = arith.constant 12 : i32
        %get3A_115 = arith.index_cast %get3A_114 : i32 to index
        %get3A_116 = arith.index_cast %mul3A_113 : i32 to index
        %get3A_117 = tpu.vector_load %arg10[%get3A_115, %get3A_116] {strides = array<i32>} : memref<16x384xi32, #tpu.memory_space<vmem>>, vector<16xi32>,
        %or3A_118 = arith.ori %or3A_111, %get3A_117 : vector<16xi32>
        %mul3A_119 = arith.constant 16 : i32
        %mul3A_120 = arith.muli %scan3A_30, %mul3A_119 : i32
        %get3A_121 = arith.constant 13 : i32
        %get3A_122 = arith.index_cast %get3A_121 : i32 to index
        %get3A_123 = arith.index_cast %mul3A_120 : i32 to index
        %get3A_124 = tpu.vector_load %arg10[%get3A_122, %get3A_123] {strides = array<i32>} : memref<16x384xi32, #tpu.memory_space<vmem>>, vector<16xi32>,
        %or3A_125 = arith.ori %or3A_118, %get3A_124 : vector<16xi32>
        %mul3A_126 = arith.constant 16 : i32
        %mul3A_127 = arith.muli %scan3A_30, %mul3A_126 : i32
        %get3A_128 = arith.constant 14 : i32
        %get3A_129 = arith.index_cast %get3A_128 : i32 to index
        %get3A_130 = arith.index_cast %mul3A_127 : i32 to index
        %get3A_131 = tpu.vector_load %arg10[%get3A_129, %get3A_130] {strides = array<i32>} : memref<16x384xi32, #tpu.memory_space<vmem>>, vector<16xi32>,
        %or3A_132 = arith.ori %or3A_125, %get3A_131 : vector<16xi32>
        %mul3A_133 = arith.constant 16 : i32
        %mul3A_134 = arith.muli %scan3A_30, %mul3A_133 : i32
        %get3A_135 = arith.constant 15 : i32
        %get3A_136 = arith.index_cast %get3A_135 : i32 to index
        %get3A_137 = arith.index_cast %mul3A_134 : i32 to index
        %get3A_138 = tpu.vector_load %arg10[%get3A_136, %get3A_137] {strides = array<i32>} : memref<16x384xi32, #tpu.memory_space<vmem>>, vector<16xi32>,
        %or3A_139 = arith.ori %or3A_132, %get3A_138 : vector<16xi32>
        %mul3A_140 = arith.constant 16 : i32
        %mul3A_141 = arith.muli %scan3A_30, %mul3A_140 : i32
        %swap3A = arith.index_cast %mul3A_141 : i32 to index
        %swap3A_142 = tpu.vector_load %arg16[%swap3A] {strides = array<i32>} : memref<384xi32, #tpu.memory_space<vmem>>, vector<16xi32>,
        tpu.vector_store %arg16[%swap3A], %or3A_139 {strides = array<i32>} : memref<384xi32, #tpu.memory_space<vmem>>, vector<16xi32>,
      }
      %scan3A_20 = arith.constant 24 : i32
      %le3A = arith.constant 12 : i32
      %le3A_21 = arith.cmpi sle, %arg1, %le3A : i32
      %convert_element_type3A_22 = arith.extui %le3A_21 : i1 to i32
      %cond3A_23 = arith.constant 0 : i32
      %cond3A_24 = arith.cmpi ne, %convert_element_type3A_22, %cond3A_23 : i32
      scf.if %cond3A_24 {
        %mul3A_30 = arith.constant 384 : i32
        %mul3A_31 = arith.muli %arg1, %mul3A_30 : i32
        "tpu.region"() ({
          %run_scoped3A = tpu.sem_alloc : memref<!tpu.dma_semaphore, #tpu.memory_space<semaphore_mem>>
          %dma_start3A = tpu.memref_slice %arg7[%mul3A_31] : memref<5000xi32, #tpu.memory_space<hbm>> -> memref<384xi32, #tpu.memory_space<hbm>>
          %dma_start3A_32 = tpu.memref_slice %arg7[%mul3A_31] : memref<5000xi32, #tpu.memory_space<hbm>> -> memref<384xi32, #tpu.memory_space<hbm>>
          tpu.enqueue_dma source(%arg16 : memref<384xi32, #tpu.memory_space<vmem>>) target(%dma_start3A_32 : memref<384xi32, #tpu.memory_space<hbm>>) target_semaphore(%run_scoped3A : memref<!tpu.dma_semaphore, #tpu.memory_space<semaphore_mem>>)
          %dma_wait3A = tpu.memref_slice %arg7[%mul3A_31] : memref<5000xi32, #tpu.memory_space<hbm>> -> memref<384xi32, #tpu.memory_space<hbm>>
          %dma_wait3A_33 = tpu.memref_slice %arg7[%mul3A_31] : memref<5000xi32, #tpu.memory_space<hbm>> -> memref<384xi32, #tpu.memory_space<hbm>>
          tpu.wait_dma2 semaphore(%run_scoped3A : memref<!tpu.dma_semaphore, #tpu.memory_space<semaphore_mem>>) src(%arg16 : memref<384xi32, #tpu.memory_space<vmem>>) dst(%dma_wait3A_33 : memref<384xi32, #tpu.memory_space<hbm>>)
          tpu.yield
        }) : () -> ()
      } else {
      }
      %eq3A_25 = arith.constant 13 : i32
      %eq3A_26 = arith.cmpi eq, %arg1, %eq3A_25 : i32
      %convert_element_type3A_27 = arith.extui %eq3A_26 : i1 to i32
      %cond3A_28 = arith.constant 0 : i32
      %cond3A_29 = arith.cmpi ne, %convert_element_type3A_27, %cond3A_28 : i32
      scf.if %cond3A_29 {
        "tpu.region"() ({
          %run_scoped3A = tpu.sem_alloc : memref<!tpu.dma_semaphore, #tpu.memory_space<semaphore_mem>>
          %dma_start3A = arith.constant 0 : i32
          %dma_start3A_30 = tpu.memref_slice %arg16[%dma_start3A] : memref<384xi32, #tpu.memory_space<vmem>> -> memref<8xi32, #tpu.memory_space<vmem>>
          %dma_start3A_31 = arith.constant 4992 : i32
          %dma_start3A_32 = tpu.memref_slice %arg7[%dma_start3A_31] : memref<5000xi32, #tpu.memory_space<hbm>> -> memref<8xi32, #tpu.memory_space<hbm>>
          %dma_start3A_33 = arith.constant 4992 : i32
          %dma_start3A_34 = tpu.memref_slice %arg7[%dma_start3A_33] : memref<5000xi32, #tpu.memory_space<hbm>> -> memref<8xi32, #tpu.memory_space<hbm>>
          %dma_start3A_35 = arith.constant 0 : i32
          %dma_start3A_36 = tpu.memref_slice %arg16[%dma_start3A_35] : memref<384xi32, #tpu.memory_space<vmem>> -> memref<8xi32, #tpu.memory_space<vmem>>
          tpu.enqueue_dma source(%dma_start3A_36 : memref<8xi32, #tpu.memory_space<vmem>>) target(%dma_start3A_34 : memref<8xi32, #tpu.memory_space<hbm>>) target_semaphore(%run_scoped3A : memref<!tpu.dma_semaphore, #tpu.memory_space<semaphore_mem>>)
          %dma_wait3A = arith.constant 0 : i32
          %dma_wait3A_37 = tpu.memref_slice %arg16[%dma_wait3A] : memref<384xi32, #tpu.memory_space<vmem>> -> memref<8xi32, #tpu.memory_space<vmem>>
          %dma_wait3A_38 = arith.constant 4992 : i32
          %dma_wait3A_39 = tpu.memref_slice %arg7[%dma_wait3A_38] : memref<5000xi32, #tpu.memory_space<hbm>> -> memref<8xi32, #tpu.memory_space<hbm>>
          %dma_wait3A_40 = arith.constant 4992 : i32
          %dma_wait3A_41 = tpu.memref_slice %arg7[%dma_wait3A_40] : memref<5000xi32, #tpu.memory_space<hbm>> -> memref<8xi32, #tpu.memory_space<hbm>>
          %dma_wait3A_42 = arith.constant 0 : i32
          %dma_wait3A_43 = tpu.memref_slice %arg16[%dma_wait3A_42] : memref<384xi32, #tpu.memory_space<vmem>> -> memref<8xi32, #tpu.memory_space<vmem>>
          tpu.wait_dma2 semaphore(%run_scoped3A : memref<!tpu.dma_semaphore, #tpu.memory_space<semaphore_mem>>) src(%dma_wait3A_43 : memref<8xi32, #tpu.memory_space<vmem>>) dst(%dma_wait3A_41 : memref<8xi32, #tpu.memory_space<hbm>>)
          tpu.yield
        }) : () -> ()
      } else {
      }
    } else {
    }
    %eq3A_10 = arith.constant 1 : i32
    %eq3A_11 = arith.cmpi eq, %arg0, %eq3A_10 : i32
    %convert_element_type3A_12 = arith.extui %eq3A_11 : i1 to i32
    %cond3A_13 = arith.constant 0 : i32
    %cond3A_14 = arith.cmpi ne, %convert_element_type3A_12, %cond3A_13 : i32
    scf.if %cond3A_14 {
      %mul3A = arith.constant 640 : i32
      %mul3A_15 = arith.muli %arg1, %mul3A : i32
      %min3A = arith.constant 9360 : i32
      %min3A_16 = arith.minsi %mul3A_15, %min3A : i32
      %add3A = arith.constant 0 : i32
      %add3A_17 = arith.addi %min3A_16, %add3A : i32
      %dma_start3A = arith.constant 0 : i32
      %dma_start3A_18 = tpu.memref_slice %arg2[%add3A_17, %dma_start3A] : memref<10000x128xf32, #tpu.memory_space<hbm>> -> memref<128x128xf32, #tpu.memory_space<hbm>>
      %dma_start3A_19 = arith.constant 0 : i32
      %dma_start3A_20 = tpu.memref_slice %arg2[%add3A_17, %dma_start3A_19] : memref<10000x128xf32, #tpu.memory_space<hbm>> -> memref<128x128xf32, #tpu.memory_space<hbm>>
      tpu.enqueue_dma source(%dma_start3A_20 : memref<128x128xf32, #tpu.memory_space<hbm>>) target(%arg11 : memref<128x128xf32, #tpu.memory_space<vmem>>) target_semaphore(%arg19 : memref<!tpu.dma_semaphore, #tpu.memory_space<semaphore_mem>>)
      %add3A_21 = arith.constant 128 : i32
      %add3A_22 = arith.addi %min3A_16, %add3A_21 : i32
      %dma_start3A_23 = arith.constant 0 : i32
      %dma_start3A_24 = tpu.memref_slice %arg2[%add3A_22, %dma_start3A_23] : memref<10000x128xf32, #tpu.memory_space<hbm>> -> memref<128x128xf32, #tpu.memory_space<hbm>>
      %dma_start3A_25 = arith.constant 0 : i32
      %dma_start3A_26 = tpu.memref_slice %arg2[%add3A_22, %dma_start3A_25] : memref<10000x128xf32, #tpu.memory_space<hbm>> -> memref<128x128xf32, #tpu.memory_space<hbm>>
      tpu.enqueue_dma source(%dma_start3A_26 : memref<128x128xf32, #tpu.memory_space<hbm>>) target(%arg12 : memref<128x128xf32, #tpu.memory_space<vmem>>) target_semaphore(%arg20 : memref<!tpu.dma_semaphore, #tpu.memory_space<semaphore_mem>>)
      "tpu.region"() ({
        %run_scoped3A = tpu.sem_alloc : memref<!tpu.dma_semaphore, #tpu.memory_space<semaphore_mem>>
        tpu.enqueue_dma source(%arg5 : memref<128xf32, #tpu.memory_space<hbm>>) target(%arg14 : memref<128xf32, #tpu.memory_space<vmem>>) target_semaphore(%run_scoped3A : memref<!tpu.dma_semaphore, #tpu.memory_space<semaphore_mem>>)
        tpu.wait_dma2 semaphore(%run_scoped3A : memref<!tpu.dma_semaphore, #tpu.memory_space<semaphore_mem>>) src(%arg5 : memref<128xf32, #tpu.memory_space<hbm>>) dst(%arg14 : memref<128xf32, #tpu.memory_space<vmem>>)
        tpu.yield
      }) : () -> ()
      "tpu.region"() ({
        %run_scoped3A = tpu.sem_alloc : memref<!tpu.dma_semaphore, #tpu.memory_space<semaphore_mem>>
        tpu.enqueue_dma source(%arg4 : memref<2000xi32, #tpu.memory_space<hbm>>) target(%arg15 : memref<2000xi32, #tpu.memory_space<vmem>>) target_semaphore(%run_scoped3A : memref<!tpu.dma_semaphore, #tpu.memory_space<semaphore_mem>>)
        tpu.wait_dma2 semaphore(%run_scoped3A : memref<!tpu.dma_semaphore, #tpu.memory_space<semaphore_mem>>) src(%arg4 : memref<2000xi32, #tpu.memory_space<hbm>>) dst(%arg15 : memref<2000xi32, #tpu.memory_space<vmem>>)
        tpu.yield
      }) : () -> ()
      %swap3A = arith.constant 0 : index
      %swap3A_27 = tpu.vector_load %arg17[%swap3A] {strides = array<i32>} : memref<640xi32, #tpu.memory_space<vmem>>, vector<16xi32>,
      tpu.vector_store %arg17[%swap3A], %broadcast_in_dim3A_2 {strides = array<i32>} : memref<640xi32, #tpu.memory_space<vmem>>, vector<16xi32>,
      %swap3A_28 = arith.constant 16 : index
      %swap3A_29 = tpu.vector_load %arg17[%swap3A_28] {strides = array<i32>} : memref<640xi32, #tpu.memory_space<vmem>>, vector<16xi32>,
      tpu.vector_store %arg17[%swap3A_28], %broadcast_in_dim3A_2 {strides = array<i32>} : memref<640xi32, #tpu.memory_space<vmem>>, vector<16xi32>,
      %swap3A_30 = arith.constant 32 : index
      %swap3A_31 = tpu.vector_load %arg17[%swap3A_30] {strides = array<i32>} : memref<640xi32, #tpu.memory_space<vmem>>, vector<16xi32>,
      tpu.vector_store %arg17[%swap3A_30], %broadcast_in_dim3A_2 {strides = array<i32>} : memref<640xi32, #tpu.memory_space<vmem>>, vector<16xi32>,
      %swap3A_32 = arith.constant 48 : index
      %swap3A_33 = tpu.vector_load %arg17[%swap3A_32] {strides = array<i32>} : memref<640xi32, #tpu.memory_space<vmem>>, vector<16xi32>,
      tpu.vector_store %arg17[%swap3A_32], %broadcast_in_dim3A_2 {strides = array<i32>} : memref<640xi32, #tpu.memory_space<vmem>>, vector<16xi32>,
      %swap3A_34 = arith.constant 64 : index
      %swap3A_35 = tpu.vector_load %arg17[%swap3A_34] {strides = array<i32>} : memref<640xi32, #tpu.memory_space<vmem>>, vector<16xi32>,
      tpu.vector_store %arg17[%swap3A_34], %broadcast_in_dim3A_2 {strides = array<i32>} : memref<640xi32, #tpu.memory_space<vmem>>, vector<16xi32>,
      %swap3A_36 = arith.constant 80 : index
      %swap3A_37 = tpu.vector_load %arg17[%swap3A_36] {strides = array<i32>} : memref<640xi32, #tpu.memory_space<vmem>>, vector<16xi32>,
      tpu.vector_store %arg17[%swap3A_36], %broadcast_in_dim3A_2 {strides = array<i32>} : memref<640xi32, #tpu.memory_space<vmem>>, vector<16xi32>,
      %swap3A_38 = arith.constant 96 : index
      %swap3A_39 = tpu.vector_load %arg17[%swap3A_38] {strides = array<i32>} : memref<640xi32, #tpu.memory_space<vmem>>, vector<16xi32>,
      tpu.vector_store %arg17[%swap3A_38], %broadcast_in_dim3A_2 {strides = array<i32>} : memref<640xi32, #tpu.memory_space<vmem>>, vector<16xi32>,
      %swap3A_40 = arith.constant 112 : index
      %swap3A_41 = tpu.vector_load %arg17[%swap3A_40] {strides = array<i32>} : memref<640xi32, #tpu.memory_space<vmem>>, vector<16xi32>,
      tpu.vector_store %arg17[%swap3A_40], %broadcast_in_dim3A_2 {strides = array<i32>} : memref<640xi32, #tpu.memory_space<vmem>>, vector<16xi32>,
      %swap3A_42 = arith.constant 128 : index
      %swap3A_43 = tpu.vector_load %arg17[%swap3A_42] {strides = array<i32>} : memref<640xi32, #tpu.memory_space<vmem>>, vector<16xi32>,
      tpu.vector_store %arg17[%swap3A_42], %broadcast_in_dim3A_2 {strides = array<i32>} : memref<640xi32, #tpu.memory_space<vmem>>, vector<16xi32>,
      %swap3A_44 = arith.constant 144 : index
      %swap3A_45 = tpu.vector_load %arg17[%swap3A_44] {strides = array<i32>} : memref<640xi32, #tpu.memory_space<vmem>>, vector<16xi32>,
      tpu.vector_store %arg17[%swap3A_44], %broadcast_in_dim3A_2 {strides = array<i32>} : memref<640xi32, #tpu.memory_space<vmem>>, vector<16xi32>,
      %swap3A_46 = arith.constant 160 : index
      %swap3A_47 = tpu.vector_load %arg17[%swap3A_46] {strides = array<i32>} : memref<640xi32, #tpu.memory_space<vmem>>, vector<16xi32>,
      tpu.vector_store %arg17[%swap3A_46], %broadcast_in_dim3A_2 {strides = array<i32>} : memref<640xi32, #tpu.memory_space<vmem>>, vector<16xi32>,
      %swap3A_48 = arith.constant 176 : index
      %swap3A_49 = tpu.vector_load %arg17[%swap3A_48] {strides = array<i32>} : memref<640xi32, #tpu.memory_space<vmem>>, vector<16xi32>,
      tpu.vector_store %arg17[%swap3A_48], %broadcast_in_dim3A_2 {strides = array<i32>} : memref<640xi32, #tpu.memory_space<vmem>>, vector<16xi32>,
      %swap3A_50 = arith.constant 192 : index
      %swap3A_51 = tpu.vector_load %arg17[%swap3A_50] {strides = array<i32>} : memref<640xi32, #tpu.memory_space<vmem>>, vector<16xi32>,
      tpu.vector_store %arg17[%swap3A_50], %broadcast_in_dim3A_2 {strides = array<i32>} : memref<640xi32, #tpu.memory_space<vmem>>, vector<16xi32>,
      %swap3A_52 = arith.constant 208 : index
      %swap3A_53 = tpu.vector_load %arg17[%swap3A_52] {strides = array<i32>} : memref<640xi32, #tpu.memory_space<vmem>>, vector<16xi32>,
      tpu.vector_store %arg17[%swap3A_52], %broadcast_in_dim3A_2 {strides = array<i32>} : memref<640xi32, #tpu.memory_space<vmem>>, vector<16xi32>,
      %swap3A_54 = arith.constant 224 : index
      %swap3A_55 = tpu.vector_load %arg17[%swap3A_54] {strides = array<i32>} : memref<640xi32, #tpu.memory_space<vmem>>, vector<16xi32>,
      tpu.vector_store %arg17[%swap3A_54], %broadcast_in_dim3A_2 {strides = array<i32>} : memref<640xi32, #tpu.memory_space<vmem>>, vector<16xi32>,
      %swap3A_56 = arith.constant 240 : index
      %swap3A_57 = tpu.vector_load %arg17[%swap3A_56] {strides = array<i32>} : memref<640xi32, #tpu.memory_space<vmem>>, vector<16xi32>,
      tpu.vector_store %arg17[%swap3A_56], %broadcast_in_dim3A_2 {strides = array<i32>} : memref<640xi32, #tpu.memory_space<vmem>>, vector<16xi32>,
      %swap3A_58 = arith.constant 256 : index
      %swap3A_59 = tpu.vector_load %arg17[%swap3A_58] {strides = array<i32>} : memref<640xi32, #tpu.memory_space<vmem>>, vector<16xi32>,
      tpu.vector_store %arg17[%swap3A_58], %broadcast_in_dim3A_2 {strides = array<i32>} : memref<640xi32, #tpu.memory_space<vmem>>, vector<16xi32>,
      %swap3A_60 = arith.constant 272 : index
      %swap3A_61 = tpu.vector_load %arg17[%swap3A_60] {strides = array<i32>} : memref<640xi32, #tpu.memory_space<vmem>>, vector<16xi32>,
      tpu.vector_store %arg17[%swap3A_60], %broadcast_in_dim3A_2 {strides = array<i32>} : memref<640xi32, #tpu.memory_space<vmem>>, vector<16xi32>,
      %swap3A_62 = arith.constant 288 : index
      %swap3A_63 = tpu.vector_load %arg17[%swap3A_62] {strides = array<i32>} : memref<640xi32, #tpu.memory_space<vmem>>, vector<16xi32>,
      tpu.vector_store %arg17[%swap3A_62], %broadcast_in_dim3A_2 {strides = array<i32>} : memref<640xi32, #tpu.memory_space<vmem>>, vector<16xi32>,
      %swap3A_64 = arith.constant 304 : index
      %swap3A_65 = tpu.vector_load %arg17[%swap3A_64] {strides = array<i32>} : memref<640xi32, #tpu.memory_space<vmem>>, vector<16xi32>,
      tpu.vector_store %arg17[%swap3A_64], %broadcast_in_dim3A_2 {strides = array<i32>} : memref<640xi32, #tpu.memory_space<vmem>>, vector<16xi32>,
      %swap3A_66 = arith.constant 320 : index
      %swap3A_67 = tpu.vector_load %arg17[%swap3A_66] {strides = array<i32>} : memref<640xi32, #tpu.memory_space<vmem>>, vector<16xi32>,
      tpu.vector_store %arg17[%swap3A_66], %broadcast_in_dim3A_2 {strides = array<i32>} : memref<640xi32, #tpu.memory_space<vmem>>, vector<16xi32>,
      %swap3A_68 = arith.constant 336 : index
      %swap3A_69 = tpu.vector_load %arg17[%swap3A_68] {strides = array<i32>} : memref<640xi32, #tpu.memory_space<vmem>>, vector<16xi32>,
      tpu.vector_store %arg17[%swap3A_68], %broadcast_in_dim3A_2 {strides = array<i32>} : memref<640xi32, #tpu.memory_space<vmem>>, vector<16xi32>,
      %swap3A_70 = arith.constant 352 : index
      %swap3A_71 = tpu.vector_load %arg17[%swap3A_70] {strides = array<i32>} : memref<640xi32, #tpu.memory_space<vmem>>, vector<16xi32>,
      tpu.vector_store %arg17[%swap3A_70], %broadcast_in_dim3A_2 {strides = array<i32>} : memref<640xi32, #tpu.memory_space<vmem>>, vector<16xi32>,
      %swap3A_72 = arith.constant 368 : index
      %swap3A_73 = tpu.vector_load %arg17[%swap3A_72] {strides = array<i32>} : memref<640xi32, #tpu.memory_space<vmem>>, vector<16xi32>,
      tpu.vector_store %arg17[%swap3A_72], %broadcast_in_dim3A_2 {strides = array<i32>} : memref<640xi32, #tpu.memory_space<vmem>>, vector<16xi32>,
      %swap3A_74 = arith.constant 384 : index
      %swap3A_75 = tpu.vector_load %arg17[%swap3A_74] {strides = array<i32>} : memref<640xi32, #tpu.memory_space<vmem>>, vector<16xi32>,
      tpu.vector_store %arg17[%swap3A_74], %broadcast_in_dim3A_2 {strides = array<i32>} : memref<640xi32, #tpu.memory_space<vmem>>, vector<16xi32>,
      %swap3A_76 = arith.constant 400 : index
      %swap3A_77 = tpu.vector_load %arg17[%swap3A_76] {strides = array<i32>} : memref<640xi32, #tpu.memory_space<vmem>>, vector<16xi32>,
      tpu.vector_store %arg17[%swap3A_76], %broadcast_in_dim3A_2 {strides = array<i32>} : memref<640xi32, #tpu.memory_space<vmem>>, vector<16xi32>,
      %swap3A_78 = arith.constant 416 : index
      %swap3A_79 = tpu.vector_load %arg17[%swap3A_78] {strides = array<i32>} : memref<640xi32, #tpu.memory_space<vmem>>, vector<16xi32>,
      tpu.vector_store %arg17[%swap3A_78], %broadcast_in_dim3A_2 {strides = array<i32>} : memref<640xi32, #tpu.memory_space<vmem>>, vector<16xi32>,
      %swap3A_80 = arith.constant 432 : index
      %swap3A_81 = tpu.vector_load %arg17[%swap3A_80] {strides = array<i32>} : memref<640xi32, #tpu.memory_space<vmem>>, vector<16xi32>,
      tpu.vector_store %arg17[%swap3A_80], %broadcast_in_dim3A_2 {strides = array<i32>} : memref<640xi32, #tpu.memory_space<vmem>>, vector<16xi32>,
      %swap3A_82 = arith.constant 448 : index
      %swap3A_83 = tpu.vector_load %arg17[%swap3A_82] {strides = array<i32>} : memref<640xi32, #tpu.memory_space<vmem>>, vector<16xi32>,
      tpu.vector_store %arg17[%swap3A_82], %broadcast_in_dim3A_2 {strides = array<i32>} : memref<640xi32, #tpu.memory_space<vmem>>, vector<16xi32>,
      %swap3A_84 = arith.constant 464 : index
      %swap3A_85 = tpu.vector_load %arg17[%swap3A_84] {strides = array<i32>} : memref<640xi32, #tpu.memory_space<vmem>>, vector<16xi32>,
      tpu.vector_store %arg17[%swap3A_84], %broadcast_in_dim3A_2 {strides = array<i32>} : memref<640xi32, #tpu.memory_space<vmem>>, vector<16xi32>,
      %swap3A_86 = arith.constant 480 : index
      %swap3A_87 = tpu.vector_load %arg17[%swap3A_86] {strides = array<i32>} : memref<640xi32, #tpu.memory_space<vmem>>, vector<16xi32>,
      tpu.vector_store %arg17[%swap3A_86], %broadcast_in_dim3A_2 {strides = array<i32>} : memref<640xi32, #tpu.memory_space<vmem>>, vector<16xi32>,
      %swap3A_88 = arith.constant 496 : index
      %swap3A_89 = tpu.vector_load %arg17[%swap3A_88] {strides = array<i32>} : memref<640xi32, #tpu.memory_space<vmem>>, vector<16xi32>,
      tpu.vector_store %arg17[%swap3A_88], %broadcast_in_dim3A_2 {strides = array<i32>} : memref<640xi32, #tpu.memory_space<vmem>>, vector<16xi32>,
      %swap3A_90 = arith.constant 512 : index
      %swap3A_91 = tpu.vector_load %arg17[%swap3A_90] {strides = array<i32>} : memref<640xi32, #tpu.memory_space<vmem>>, vector<16xi32>,
      tpu.vector_store %arg17[%swap3A_90], %broadcast_in_dim3A_2 {strides = array<i32>} : memref<640xi32, #tpu.memory_space<vmem>>, vector<16xi32>,
      %swap3A_92 = arith.constant 528 : index
      %swap3A_93 = tpu.vector_load %arg17[%swap3A_92] {strides = array<i32>} : memref<640xi32, #tpu.memory_space<vmem>>, vector<16xi32>,
      tpu.vector_store %arg17[%swap3A_92], %broadcast_in_dim3A_2 {strides = array<i32>} : memref<640xi32, #tpu.memory_space<vmem>>, vector<16xi32>,
      %swap3A_94 = arith.constant 544 : index
      %swap3A_95 = tpu.vector_load %arg17[%swap3A_94] {strides = array<i32>} : memref<640xi32, #tpu.memory_space<vmem>>, vector<16xi32>,
      tpu.vector_store %arg17[%swap3A_94], %broadcast_in_dim3A_2 {strides = array<i32>} : memref<640xi32, #tpu.memory_space<vmem>>, vector<16xi32>,
      %swap3A_96 = arith.constant 560 : index
      %swap3A_97 = tpu.vector_load %arg17[%swap3A_96] {strides = array<i32>} : memref<640xi32, #tpu.memory_space<vmem>>, vector<16xi32>,
      tpu.vector_store %arg17[%swap3A_96], %broadcast_in_dim3A_2 {strides = array<i32>} : memref<640xi32, #tpu.memory_space<vmem>>, vector<16xi32>,
      %swap3A_98 = arith.constant 576 : index
      %swap3A_99 = tpu.vector_load %arg17[%swap3A_98] {strides = array<i32>} : memref<640xi32, #tpu.memory_space<vmem>>, vector<16xi32>,
      tpu.vector_store %arg17[%swap3A_98], %broadcast_in_dim3A_2 {strides = array<i32>} : memref<640xi32, #tpu.memory_space<vmem>>, vector<16xi32>,
      %swap3A_100 = arith.constant 592 : index
      %swap3A_101 = tpu.vector_load %arg17[%swap3A_100] {strides = array<i32>} : memref<640xi32, #tpu.memory_space<vmem>>, vector<16xi32>,
      tpu.vector_store %arg17[%swap3A_100], %broadcast_in_dim3A_2 {strides = array<i32>} : memref<640xi32, #tpu.memory_space<vmem>>, vector<16xi32>,
      %swap3A_102 = arith.constant 608 : index
      %swap3A_103 = tpu.vector_load %arg17[%swap3A_102] {strides = array<i32>} : memref<640xi32, #tpu.memory_space<vmem>>, vector<16xi32>,
      tpu.vector_store %arg17[%swap3A_102], %broadcast_in_dim3A_2 {strides = array<i32>} : memref<640xi32, #tpu.memory_space<vmem>>, vector<16xi32>,
      %swap3A_104 = arith.constant 624 : index
      %swap3A_105 = tpu.vector_load %arg17[%swap3A_104] {strides = array<i32>} : memref<640xi32, #tpu.memory_space<vmem>>, vector<16xi32>,
      tpu.vector_store %arg17[%swap3A_104], %broadcast_in_dim3A_2 {strides = array<i32>} : memref<640xi32, #tpu.memory_space<vmem>>, vector<16xi32>,
      %scan3A = arith.constant 0 : i32
      %scan3A_106 = arith.constant 0 : i32
      %scan3A_107 = arith.constant 125 : i32
      %scan3A_108 = arith.addi %scan3A_106, %scan3A_107 : i32
      %scan3A_109 = arith.constant 1 : i32
      scf.for %scan3A_243 = %scan3A_106 to %scan3A_108 step %scan3A_109  : i32 {
        %mul3A_244 = arith.constant 16 : i32
        %mul3A_245 = arith.muli %scan3A_243, %mul3A_244 : i32
        %get3A_246 = arith.index_cast %mul3A_245 : i32 to index
        %get3A_247 = tpu.vector_load %arg15[%get3A_246] {strides = array<i32>} : memref<2000xi32, #tpu.memory_space<vmem>>, vector<16xi32>,
        %sub3A = vector.broadcast %min3A_16 : i32 to vector<16xi32>
        %sub3A_248 = arith.subi %get3A_247, %sub3A : vector<16xi32>
        %ge3A = arith.constant 0 : i32
        %ge3A_249 = vector.broadcast %ge3A : i32 to vector<16xi32>
        %ge3A_250 = arith.cmpi sge, %sub3A_248, %ge3A_249 : vector<16xi32>
        %lt3A = arith.constant 640 : i32
        %lt3A_251 = vector.broadcast %lt3A : i32 to vector<16xi32>
        %lt3A_252 = arith.cmpi slt, %sub3A_248, %lt3A_251 : vector<16xi32>
        %and3A = arith.andi %ge3A_250, %lt3A_252 : vector<16xi1>
        %jit3A = arith.constant 0 : i32
        %jit3A_253 = arith.constant 639 : i32
        %max3A = vector.broadcast %jit3A : i32 to vector<16xi32>
        %max3A_254 = arith.maxsi %max3A, %sub3A_248 : vector<16xi32>
        %min3A_255 = vector.broadcast %jit3A_253 : i32 to vector<16xi32>
        %min3A_256 = arith.minsi %min3A_255, %max3A_254 : vector<16xi32>
        tpu.vector_store_idx %arg17[%min3A_256], %broadcast_in_dim3A_0 masked %and3A : memref<640xi32, #tpu.memory_space<vmem>>[vector<16xi32>], vector<16xi32>, vector<16xi1>
      }
      %scan3A_110 = arith.constant 125 : i32
      %get3A = arith.constant 0 : index
      %get3A_111 = tpu.vector_load %arg14[%get3A] {strides = array<i32>} : memref<128xf32, #tpu.memory_space<vmem>>, vector<16xf32>,
      %get3A_112 = arith.constant 16 : index
      %get3A_113 = tpu.vector_load %arg14[%get3A_112] {strides = array<i32>} : memref<128xf32, #tpu.memory_space<vmem>>, vector<16xf32>,
      %get3A_114 = arith.constant 32 : index
      %get3A_115 = tpu.vector_load %arg14[%get3A_114] {strides = array<i32>} : memref<128xf32, #tpu.memory_space<vmem>>, vector<16xf32>,
      %get3A_116 = arith.constant 48 : index
      %get3A_117 = tpu.vector_load %arg14[%get3A_116] {strides = array<i32>} : memref<128xf32, #tpu.memory_space<vmem>>, vector<16xf32>,
      %get3A_118 = arith.constant 64 : index
      %get3A_119 = tpu.vector_load %arg14[%get3A_118] {strides = array<i32>} : memref<128xf32, #tpu.memory_space<vmem>>, vector<16xf32>,
      %get3A_120 = arith.constant 80 : index
      %get3A_121 = tpu.vector_load %arg14[%get3A_120] {strides = array<i32>} : memref<128xf32, #tpu.memory_space<vmem>>, vector<16xf32>,
      %get3A_122 = arith.constant 96 : index
      %get3A_123 = tpu.vector_load %arg14[%get3A_122] {strides = array<i32>} : memref<128xf32, #tpu.memory_space<vmem>>, vector<16xf32>,
      %get3A_124 = arith.constant 112 : index
      %get3A_125 = tpu.vector_load %arg14[%get3A_124] {strides = array<i32>} : memref<128xf32, #tpu.memory_space<vmem>>, vector<16xf32>,
      %dma_wait3A = arith.constant 0 : i32
      %dma_wait3A_126 = tpu.memref_slice %arg2[%add3A_17, %dma_wait3A] : memref<10000x128xf32, #tpu.memory_space<hbm>> -> memref<128x128xf32, #tpu.memory_space<hbm>>
      %dma_wait3A_127 = arith.constant 0 : i32
      %dma_wait3A_128 = tpu.memref_slice %arg2[%add3A_17, %dma_wait3A_127] : memref<10000x128xf32, #tpu.memory_space<hbm>> -> memref<128x128xf32, #tpu.memory_space<hbm>>
      tpu.wait_dma2 semaphore(%arg19 : memref<!tpu.dma_semaphore, #tpu.memory_space<semaphore_mem>>) src(%dma_wait3A_128 : memref<128x128xf32, #tpu.memory_space<hbm>>) dst(%arg11 : memref<128x128xf32, #tpu.memory_space<vmem>>)
      %scan3A_129 = arith.constant 0 : i32
      %scan3A_130 = arith.constant 0 : i32
      %scan3A_131 = arith.constant 64 : i32
      %scan3A_132 = arith.addi %scan3A_130, %scan3A_131 : i32
      %scan3A_133 = arith.constant 1 : i32
      scf.for %scan3A_243 = %scan3A_130 to %scan3A_132 step %scan3A_133  : i32 {
        %broadcast_in_dim3A_244 = arith.constant 0 : i32
        %broadcast_in_dim3A_245 = vector.broadcast %broadcast_in_dim3A_244 : i32 to vector<16xi32>
        %mul3A_246 = arith.constant 2 : i32
        %mul3A_247 = arith.muli %mul3A_246, %scan3A_243 : i32
        %add3A_248 = vector.broadcast %mul3A_247 : i32 to vector<16xi32>
        %add3A_249 = arith.addi %broadcast_in_dim3A_245, %add3A_248 : vector<16xi32>
        %gather3A = tpu.vector_load_idx %arg17[%add3A_249] : memref<640xi32, #tpu.memory_space<vmem>>[vector<16xi32>], vector<16xi32>,
        %gt3A = arith.constant 0 : i32
        %gt3A_250 = vector.broadcast %gt3A : i32 to vector<16xi32>
        %gt3A_251 = arith.cmpi sgt, %gather3A, %gt3A_250 : vector<16xi32>
        %mul3A_252 = arith.constant 2 : i32
        %mul3A_253 = arith.muli %mul3A_252, %scan3A_243 : i32
        %add3A_254 = arith.constant 0 : i32
        %add3A_255 = arith.addi %mul3A_253, %add3A_254 : i32
        %swap3A_256 = arith.index_cast %add3A_255 : i32 to index
        %swap3A_257 = arith.constant 0 : index
        %swap3A_258 = tpu.vector_load %arg11[%swap3A_256, %swap3A_257] masked %gt3A_251 {strides = array<i32>} : memref<128x128xf32, #tpu.memory_space<vmem>>, vector<16xf32>, vector<16xi1>
        tpu.vector_store %arg11[%swap3A_256, %swap3A_257], %get3A_111 masked %gt3A_251 {strides = array<i32>} : memref<128x128xf32, #tpu.memory_space<vmem>>, vector<16xf32>, vector<16xi1>
        %mul3A_259 = arith.constant 2 : i32
        %mul3A_260 = arith.muli %mul3A_259, %scan3A_243 : i32
        %add3A_261 = arith.constant 0 : i32
        %add3A_262 = arith.addi %mul3A_260, %add3A_261 : i32
        %swap3A_263 = arith.index_cast %add3A_262 : i32 to index
        %swap3A_264 = arith.constant 16 : index
        %swap3A_265 = tpu.vector_load %arg11[%swap3A_263, %swap3A_264] masked %gt3A_251 {strides = array<i32>} : memref<128x128xf32, #tpu.memory_space<vmem>>, vector<16xf32>, vector<16xi1>
        tpu.vector_store %arg11[%swap3A_263, %swap3A_264], %get3A_113 masked %gt3A_251 {strides = array<i32>} : memref<128x128xf32, #tpu.memory_space<vmem>>, vector<16xf32>, vector<16xi1>
        %mul3A_266 = arith.constant 2 : i32
        %mul3A_267 = arith.muli %mul3A_266, %scan3A_243 : i32
        %add3A_268 = arith.constant 0 : i32
        %add3A_269 = arith.addi %mul3A_267, %add3A_268 : i32
        %swap3A_270 = arith.index_cast %add3A_269 : i32 to index
        %swap3A_271 = arith.constant 32 : index
        %swap3A_272 = tpu.vector_load %arg11[%swap3A_270, %swap3A_271] masked %gt3A_251 {strides = array<i32>} : memref<128x128xf32, #tpu.memory_space<vmem>>, vector<16xf32>, vector<16xi1>
        tpu.vector_store %arg11[%swap3A_270, %swap3A_271], %get3A_115 masked %gt3A_251 {strides = array<i32>} : memref<128x128xf32, #tpu.memory_space<vmem>>, vector<16xf32>, vector<16xi1>
        %mul3A_273 = arith.constant 2 : i32
        %mul3A_274 = arith.muli %mul3A_273, %scan3A_243 : i32
        %add3A_275 = arith.constant 0 : i32
        %add3A_276 = arith.addi %mul3A_274, %add3A_275 : i32
        %swap3A_277 = arith.index_cast %add3A_276 : i32 to index
        %swap3A_278 = arith.constant 48 : index
        %swap3A_279 = tpu.vector_load %arg11[%swap3A_277, %swap3A_278] masked %gt3A_251 {strides = array<i32>} : memref<128x128xf32, #tpu.memory_space<vmem>>, vector<16xf32>, vector<16xi1>
        tpu.vector_store %arg11[%swap3A_277, %swap3A_278], %get3A_117 masked %gt3A_251 {strides = array<i32>} : memref<128x128xf32, #tpu.memory_space<vmem>>, vector<16xf32>, vector<16xi1>
        %mul3A_280 = arith.constant 2 : i32
        %mul3A_281 = arith.muli %mul3A_280, %scan3A_243 : i32
        %add3A_282 = arith.constant 0 : i32
        %add3A_283 = arith.addi %mul3A_281, %add3A_282 : i32
        %swap3A_284 = arith.index_cast %add3A_283 : i32 to index
        %swap3A_285 = arith.constant 64 : index
        %swap3A_286 = tpu.vector_load %arg11[%swap3A_284, %swap3A_285] masked %gt3A_251 {strides = array<i32>} : memref<128x128xf32, #tpu.memory_space<vmem>>, vector<16xf32>, vector<16xi1>
        tpu.vector_store %arg11[%swap3A_284, %swap3A_285], %get3A_119 masked %gt3A_251 {strides = array<i32>} : memref<128x128xf32, #tpu.memory_space<vmem>>, vector<16xf32>, vector<16xi1>
        %mul3A_287 = arith.constant 2 : i32
        %mul3A_288 = arith.muli %mul3A_287, %scan3A_243 : i32
        %add3A_289 = arith.constant 0 : i32
        %add3A_290 = arith.addi %mul3A_288, %add3A_289 : i32
        %swap3A_291 = arith.index_cast %add3A_290 : i32 to index
        %swap3A_292 = arith.constant 80 : index
        %swap3A_293 = tpu.vector_load %arg11[%swap3A_291, %swap3A_292] masked %gt3A_251 {strides = array<i32>} : memref<128x128xf32, #tpu.memory_space<vmem>>, vector<16xf32>, vector<16xi1>
        tpu.vector_store %arg11[%swap3A_291, %swap3A_292], %get3A_121 masked %gt3A_251 {strides = array<i32>} : memref<128x128xf32, #tpu.memory_space<vmem>>, vector<16xf32>, vector<16xi1>
        %mul3A_294 = arith.constant 2 : i32
        %mul3A_295 = arith.muli %mul3A_294, %scan3A_243 : i32
        %add3A_296 = arith.constant 0 : i32
        %add3A_297 = arith.addi %mul3A_295, %add3A_296 : i32
        %swap3A_298 = arith.index_cast %add3A_297 : i32 to index
        %swap3A_299 = arith.constant 96 : index
        %swap3A_300 = tpu.vector_load %arg11[%swap3A_298, %swap3A_299] masked %gt3A_251 {strides = array<i32>} : memref<128x128xf32, #tpu.memory_space<vmem>>, vector<16xf32>, vector<16xi1>
        tpu.vector_store %arg11[%swap3A_298, %swap3A_299], %get3A_123 masked %gt3A_251 {strides = array<i32>} : memref<128x128xf32, #tpu.memory_space<vmem>>, vector<16xf32>, vector<16xi1>
        %mul3A_301 = arith.constant 2 : i32
        %mul3A_302 = arith.muli %mul3A_301, %scan3A_243 : i32
        %add3A_303 = arith.constant 0 : i32
        %add3A_304 = arith.addi %mul3A_302, %add3A_303 : i32
        %swap3A_305 = arith.index_cast %add3A_304 : i32 to index
        %swap3A_306 = arith.constant 112 : index
        %swap3A_307 = tpu.vector_load %arg11[%swap3A_305, %swap3A_306] masked %gt3A_251 {strides = array<i32>} : memref<128x128xf32, #tpu.memory_space<vmem>>, vector<16xf32>, vector<16xi1>
        tpu.vector_store %arg11[%swap3A_305, %swap3A_306], %get3A_125 masked %gt3A_251 {strides = array<i32>} : memref<128x128xf32, #tpu.memory_space<vmem>>, vector<16xf32>, vector<16xi1>
        %broadcast_in_dim3A_308 = arith.constant 1 : i32
        %broadcast_in_dim3A_309 = vector.broadcast %broadcast_in_dim3A_308 : i32 to vector<16xi32>
        %mul3A_310 = arith.constant 2 : i32
        %mul3A_311 = arith.muli %mul3A_310, %scan3A_243 : i32
        %add3A_312 = vector.broadcast %mul3A_311 : i32 to vector<16xi32>
        %add3A_313 = arith.addi %broadcast_in_dim3A_309, %add3A_312 : vector<16xi32>
        %gather3A_314 = tpu.vector_load_idx %arg17[%add3A_313] : memref<640xi32, #tpu.memory_space<vmem>>[vector<16xi32>], vector<16xi32>,
        %gt3A_315 = arith.constant 0 : i32
        %gt3A_316 = vector.broadcast %gt3A_315 : i32 to vector<16xi32>
        %gt3A_317 = arith.cmpi sgt, %gather3A_314, %gt3A_316 : vector<16xi32>
        %mul3A_318 = arith.constant 2 : i32
        %mul3A_319 = arith.muli %mul3A_318, %scan3A_243 : i32
        %add3A_320 = arith.constant 1 : i32
        %add3A_321 = arith.addi %mul3A_319, %add3A_320 : i32
        %swap3A_322 = arith.index_cast %add3A_321 : i32 to index
        %swap3A_323 = arith.constant 0 : index
        %swap3A_324 = tpu.vector_load %arg11[%swap3A_322, %swap3A_323] masked %gt3A_317 {strides = array<i32>} : memref<128x128xf32, #tpu.memory_space<vmem>>, vector<16xf32>, vector<16xi1>
        tpu.vector_store %arg11[%swap3A_322, %swap3A_323], %get3A_111 masked %gt3A_317 {strides = array<i32>} : memref<128x128xf32, #tpu.memory_space<vmem>>, vector<16xf32>, vector<16xi1>
        %mul3A_325 = arith.constant 2 : i32
        %mul3A_326 = arith.muli %mul3A_325, %scan3A_243 : i32
        %add3A_327 = arith.constant 1 : i32
        %add3A_328 = arith.addi %mul3A_326, %add3A_327 : i32
        %swap3A_329 = arith.index_cast %add3A_328 : i32 to index
        %swap3A_330 = arith.constant 16 : index
        %swap3A_331 = tpu.vector_load %arg11[%swap3A_329, %swap3A_330] masked %gt3A_317 {strides = array<i32>} : memref<128x128xf32, #tpu.memory_space<vmem>>, vector<16xf32>, vector<16xi1>
        tpu.vector_store %arg11[%swap3A_329, %swap3A_330], %get3A_113 masked %gt3A_317 {strides = array<i32>} : memref<128x128xf32, #tpu.memory_space<vmem>>, vector<16xf32>, vector<16xi1>
        %mul3A_332 = arith.constant 2 : i32
        %mul3A_333 = arith.muli %mul3A_332, %scan3A_243 : i32
        %add3A_334 = arith.constant 1 : i32
        %add3A_335 = arith.addi %mul3A_333, %add3A_334 : i32
        %swap3A_336 = arith.index_cast %add3A_335 : i32 to index
        %swap3A_337 = arith.constant 32 : index
        %swap3A_338 = tpu.vector_load %arg11[%swap3A_336, %swap3A_337] masked %gt3A_317 {strides = array<i32>} : memref<128x128xf32, #tpu.memory_space<vmem>>, vector<16xf32>, vector<16xi1>
        tpu.vector_store %arg11[%swap3A_336, %swap3A_337], %get3A_115 masked %gt3A_317 {strides = array<i32>} : memref<128x128xf32, #tpu.memory_space<vmem>>, vector<16xf32>, vector<16xi1>
        %mul3A_339 = arith.constant 2 : i32
        %mul3A_340 = arith.muli %mul3A_339, %scan3A_243 : i32
        %add3A_341 = arith.constant 1 : i32
        %add3A_342 = arith.addi %mul3A_340, %add3A_341 : i32
        %swap3A_343 = arith.index_cast %add3A_342 : i32 to index
        %swap3A_344 = arith.constant 48 : index
        %swap3A_345 = tpu.vector_load %arg11[%swap3A_343, %swap3A_344] masked %gt3A_317 {strides = array<i32>} : memref<128x128xf32, #tpu.memory_space<vmem>>, vector<16xf32>, vector<16xi1>
        tpu.vector_store %arg11[%swap3A_343, %swap3A_344], %get3A_117 masked %gt3A_317 {strides = array<i32>} : memref<128x128xf32, #tpu.memory_space<vmem>>, vector<16xf32>, vector<16xi1>
        %mul3A_346 = arith.constant 2 : i32
        %mul3A_347 = arith.muli %mul3A_346, %scan3A_243 : i32
        %add3A_348 = arith.constant 1 : i32
        %add3A_349 = arith.addi %mul3A_347, %add3A_348 : i32
        %swap3A_350 = arith.index_cast %add3A_349 : i32 to index
        %swap3A_351 = arith.constant 64 : index
        %swap3A_352 = tpu.vector_load %arg11[%swap3A_350, %swap3A_351] masked %gt3A_317 {strides = array<i32>} : memref<128x128xf32, #tpu.memory_space<vmem>>, vector<16xf32>, vector<16xi1>
        tpu.vector_store %arg11[%swap3A_350, %swap3A_351], %get3A_119 masked %gt3A_317 {strides = array<i32>} : memref<128x128xf32, #tpu.memory_space<vmem>>, vector<16xf32>, vector<16xi1>
        %mul3A_353 = arith.constant 2 : i32
        %mul3A_354 = arith.muli %mul3A_353, %scan3A_243 : i32
        %add3A_355 = arith.constant 1 : i32
        %add3A_356 = arith.addi %mul3A_354, %add3A_355 : i32
        %swap3A_357 = arith.index_cast %add3A_356 : i32 to index
        %swap3A_358 = arith.constant 80 : index
        %swap3A_359 = tpu.vector_load %arg11[%swap3A_357, %swap3A_358] masked %gt3A_317 {strides = array<i32>} : memref<128x128xf32, #tpu.memory_space<vmem>>, vector<16xf32>, vector<16xi1>
        tpu.vector_store %arg11[%swap3A_357, %swap3A_358], %get3A_121 masked %gt3A_317 {strides = array<i32>} : memref<128x128xf32, #tpu.memory_space<vmem>>, vector<16xf32>, vector<16xi1>
        %mul3A_360 = arith.constant 2 : i32
        %mul3A_361 = arith.muli %mul3A_360, %scan3A_243 : i32
        %add3A_362 = arith.constant 1 : i32
        %add3A_363 = arith.addi %mul3A_361, %add3A_362 : i32
        %swap3A_364 = arith.index_cast %add3A_363 : i32 to index
        %swap3A_365 = arith.constant 96 : index
        %swap3A_366 = tpu.vector_load %arg11[%swap3A_364, %swap3A_365] masked %gt3A_317 {strides = array<i32>} : memref<128x128xf32, #tpu.memory_space<vmem>>, vector<16xf32>, vector<16xi1>
        tpu.vector_store %arg11[%swap3A_364, %swap3A_365], %get3A_123 masked %gt3A_317 {strides = array<i32>} : memref<128x128xf32, #tpu.memory_space<vmem>>, vector<16xf32>, vector<16xi1>
        %mul3A_367 = arith.constant 2 : i32
        %mul3A_368 = arith.muli %mul3A_367, %scan3A_243 : i32
        %add3A_369 = arith.constant 1 : i32
        %add3A_370 = arith.addi %mul3A_368, %add3A_369 : i32
        %swap3A_371 = arith.index_cast %add3A_370 : i32 to index
        %swap3A_372 = arith.constant 112 : index
        %swap3A_373 = tpu.vector_load %arg11[%swap3A_371, %swap3A_372] masked %gt3A_317 {strides = array<i32>} : memref<128x128xf32, #tpu.memory_space<vmem>>, vector<16xf32>, vector<16xi1>
        tpu.vector_store %arg11[%swap3A_371, %swap3A_372], %get3A_125 masked %gt3A_317 {strides = array<i32>} : memref<128x128xf32, #tpu.memory_space<vmem>>, vector<16xf32>, vector<16xi1>
      }
      %scan3A_134 = arith.constant 64 : i32
      %add3A_135 = arith.constant 0 : i32
      %add3A_136 = arith.addi %min3A_16, %add3A_135 : i32
      %dma_start3A_137 = arith.constant 0 : i32
      %dma_start3A_138 = tpu.memref_slice %arg6[%add3A_136, %dma_start3A_137] : memref<10000x128xf32, #tpu.memory_space<hbm>> -> memref<128x128xf32, #tpu.memory_space<hbm>>
      %dma_start3A_139 = arith.constant 0 : i32
      %dma_start3A_140 = tpu.memref_slice %arg6[%add3A_136, %dma_start3A_139] : memref<10000x128xf32, #tpu.memory_space<hbm>> -> memref<128x128xf32, #tpu.memory_space<hbm>>
      tpu.enqueue_dma source(%arg11 : memref<128x128xf32, #tpu.memory_space<vmem>>) target(%dma_start3A_140 : memref<128x128xf32, #tpu.memory_space<hbm>>) target_semaphore(%arg22 : memref<!tpu.dma_semaphore, #tpu.memory_space<semaphore_mem>>)
      %add3A_141 = arith.constant 256 : i32
      %add3A_142 = arith.addi %min3A_16, %add3A_141 : i32
      %dma_start3A_143 = arith.constant 0 : i32
      %dma_start3A_144 = tpu.memref_slice %arg2[%add3A_142, %dma_start3A_143] : memref<10000x128xf32, #tpu.memory_space<hbm>> -> memref<128x128xf32, #tpu.memory_space<hbm>>
      %dma_start3A_145 = arith.constant 0 : i32
      %dma_start3A_146 = tpu.memref_slice %arg2[%add3A_142, %dma_start3A_145] : memref<10000x128xf32, #tpu.memory_space<hbm>> -> memref<128x128xf32, #tpu.memory_space<hbm>>
      tpu.enqueue_dma source(%dma_start3A_146 : memref<128x128xf32, #tpu.memory_space<hbm>>) target(%arg13 : memref<128x128xf32, #tpu.memory_space<vmem>>) target_semaphore(%arg21 : memref<!tpu.dma_semaphore, #tpu.memory_space<semaphore_mem>>)
      %dma_wait3A_147 = arith.constant 0 : i32
      %dma_wait3A_148 = tpu.memref_slice %arg2[%add3A_22, %dma_wait3A_147] : memref<10000x128xf32, #tpu.memory_space<hbm>> -> memref<128x128xf32, #tpu.memory_space<hbm>>
      %dma_wait3A_149 = arith.constant 0 : i32
      %dma_wait3A_150 = tpu.memref_slice %arg2[%add3A_22, %dma_wait3A_149] : memref<10000x128xf32, #tpu.memory_space<hbm>> -> memref<128x128xf32, #tpu.memory_space<hbm>>
      tpu.wait_dma2 semaphore(%arg20 : memref<!tpu.dma_semaphore, #tpu.memory_space<semaphore_mem>>) src(%dma_wait3A_150 : memref<128x128xf32, #tpu.memory_space<hbm>>) dst(%arg12 : memref<128x128xf32, #tpu.memory_space<vmem>>)
      %scan3A_151 = arith.constant 0 : i32
      %scan3A_152 = arith.constant 0 : i32
      %scan3A_153 = arith.constant 64 : i32
      %scan3A_154 = arith.addi %scan3A_152, %scan3A_153 : i32
      %scan3A_155 = arith.constant 1 : i32
      scf.for %scan3A_243 = %scan3A_152 to %scan3A_154 step %scan3A_155  : i32 {
        %broadcast_in_dim3A_244 = arith.constant 128 : i32
        %broadcast_in_dim3A_245 = vector.broadcast %broadcast_in_dim3A_244 : i32 to vector<16xi32>
        %mul3A_246 = arith.constant 2 : i32
        %mul3A_247 = arith.muli %mul3A_246, %scan3A_243 : i32
        %add3A_248 = vector.broadcast %mul3A_247 : i32 to vector<16xi32>
        %add3A_249 = arith.addi %broadcast_in_dim3A_245, %add3A_248 : vector<16xi32>
        %gather3A = tpu.vector_load_idx %arg17[%add3A_249] : memref<640xi32, #tpu.memory_space<vmem>>[vector<16xi32>], vector<16xi32>,
        %gt3A = arith.constant 0 : i32
        %gt3A_250 = vector.broadcast %gt3A : i32 to vector<16xi32>
        %gt3A_251 = arith.cmpi sgt, %gather3A, %gt3A_250 : vector<16xi32>
        %mul3A_252 = arith.constant 2 : i32
        %mul3A_253 = arith.muli %mul3A_252, %scan3A_243 : i32
        %add3A_254 = arith.constant 0 : i32
        %add3A_255 = arith.addi %mul3A_253, %add3A_254 : i32
        %swap3A_256 = arith.index_cast %add3A_255 : i32 to index
        %swap3A_257 = arith.constant 0 : index
        %swap3A_258 = tpu.vector_load %arg12[%swap3A_256, %swap3A_257] masked %gt3A_251 {strides = array<i32>} : memref<128x128xf32, #tpu.memory_space<vmem>>, vector<16xf32>, vector<16xi1>
        tpu.vector_store %arg12[%swap3A_256, %swap3A_257], %get3A_111 masked %gt3A_251 {strides = array<i32>} : memref<128x128xf32, #tpu.memory_space<vmem>>, vector<16xf32>, vector<16xi1>
        %mul3A_259 = arith.constant 2 : i32
        %mul3A_260 = arith.muli %mul3A_259, %scan3A_243 : i32
        %add3A_261 = arith.constant 0 : i32
        %add3A_262 = arith.addi %mul3A_260, %add3A_261 : i32
        %swap3A_263 = arith.index_cast %add3A_262 : i32 to index
        %swap3A_264 = arith.constant 16 : index
        %swap3A_265 = tpu.vector_load %arg12[%swap3A_263, %swap3A_264] masked %gt3A_251 {strides = array<i32>} : memref<128x128xf32, #tpu.memory_space<vmem>>, vector<16xf32>, vector<16xi1>
        tpu.vector_store %arg12[%swap3A_263, %swap3A_264], %get3A_113 masked %gt3A_251 {strides = array<i32>} : memref<128x128xf32, #tpu.memory_space<vmem>>, vector<16xf32>, vector<16xi1>
        %mul3A_266 = arith.constant 2 : i32
        %mul3A_267 = arith.muli %mul3A_266, %scan3A_243 : i32
        %add3A_268 = arith.constant 0 : i32
        %add3A_269 = arith.addi %mul3A_267, %add3A_268 : i32
        %swap3A_270 = arith.index_cast %add3A_269 : i32 to index
        %swap3A_271 = arith.constant 32 : index
        %swap3A_272 = tpu.vector_load %arg12[%swap3A_270, %swap3A_271] masked %gt3A_251 {strides = array<i32>} : memref<128x128xf32, #tpu.memory_space<vmem>>, vector<16xf32>, vector<16xi1>
        tpu.vector_store %arg12[%swap3A_270, %swap3A_271], %get3A_115 masked %gt3A_251 {strides = array<i32>} : memref<128x128xf32, #tpu.memory_space<vmem>>, vector<16xf32>, vector<16xi1>
        %mul3A_273 = arith.constant 2 : i32
        %mul3A_274 = arith.muli %mul3A_273, %scan3A_243 : i32
        %add3A_275 = arith.constant 0 : i32
        %add3A_276 = arith.addi %mul3A_274, %add3A_275 : i32
        %swap3A_277 = arith.index_cast %add3A_276 : i32 to index
        %swap3A_278 = arith.constant 48 : index
        %swap3A_279 = tpu.vector_load %arg12[%swap3A_277, %swap3A_278] masked %gt3A_251 {strides = array<i32>} : memref<128x128xf32, #tpu.memory_space<vmem>>, vector<16xf32>, vector<16xi1>
        tpu.vector_store %arg12[%swap3A_277, %swap3A_278], %get3A_117 masked %gt3A_251 {strides = array<i32>} : memref<128x128xf32, #tpu.memory_space<vmem>>, vector<16xf32>, vector<16xi1>
        %mul3A_280 = arith.constant 2 : i32
        %mul3A_281 = arith.muli %mul3A_280, %scan3A_243 : i32
        %add3A_282 = arith.constant 0 : i32
        %add3A_283 = arith.addi %mul3A_281, %add3A_282 : i32
        %swap3A_284 = arith.index_cast %add3A_283 : i32 to index
        %swap3A_285 = arith.constant 64 : index
        %swap3A_286 = tpu.vector_load %arg12[%swap3A_284, %swap3A_285] masked %gt3A_251 {strides = array<i32>} : memref<128x128xf32, #tpu.memory_space<vmem>>, vector<16xf32>, vector<16xi1>
        tpu.vector_store %arg12[%swap3A_284, %swap3A_285], %get3A_119 masked %gt3A_251 {strides = array<i32>} : memref<128x128xf32, #tpu.memory_space<vmem>>, vector<16xf32>, vector<16xi1>
        %mul3A_287 = arith.constant 2 : i32
        %mul3A_288 = arith.muli %mul3A_287, %scan3A_243 : i32
        %add3A_289 = arith.constant 0 : i32
        %add3A_290 = arith.addi %mul3A_288, %add3A_289 : i32
        %swap3A_291 = arith.index_cast %add3A_290 : i32 to index
        %swap3A_292 = arith.constant 80 : index
        %swap3A_293 = tpu.vector_load %arg12[%swap3A_291, %swap3A_292] masked %gt3A_251 {strides = array<i32>} : memref<128x128xf32, #tpu.memory_space<vmem>>, vector<16xf32>, vector<16xi1>
        tpu.vector_store %arg12[%swap3A_291, %swap3A_292], %get3A_121 masked %gt3A_251 {strides = array<i32>} : memref<128x128xf32, #tpu.memory_space<vmem>>, vector<16xf32>, vector<16xi1>
        %mul3A_294 = arith.constant 2 : i32
        %mul3A_295 = arith.muli %mul3A_294, %scan3A_243 : i32
        %add3A_296 = arith.constant 0 : i32
        %add3A_297 = arith.addi %mul3A_295, %add3A_296 : i32
        %swap3A_298 = arith.index_cast %add3A_297 : i32 to index
        %swap3A_299 = arith.constant 96 : index
        %swap3A_300 = tpu.vector_load %arg12[%swap3A_298, %swap3A_299] masked %gt3A_251 {strides = array<i32>} : memref<128x128xf32, #tpu.memory_space<vmem>>, vector<16xf32>, vector<16xi1>
        tpu.vector_store %arg12[%swap3A_298, %swap3A_299], %get3A_123 masked %gt3A_251 {strides = array<i32>} : memref<128x128xf32, #tpu.memory_space<vmem>>, vector<16xf32>, vector<16xi1>
        %mul3A_301 = arith.constant 2 : i32
        %mul3A_302 = arith.muli %mul3A_301, %scan3A_243 : i32
        %add3A_303 = arith.constant 0 : i32
        %add3A_304 = arith.addi %mul3A_302, %add3A_303 : i32
        %swap3A_305 = arith.index_cast %add3A_304 : i32 to index
        %swap3A_306 = arith.constant 112 : index
        %swap3A_307 = tpu.vector_load %arg12[%swap3A_305, %swap3A_306] masked %gt3A_251 {strides = array<i32>} : memref<128x128xf32, #tpu.memory_space<vmem>>, vector<16xf32>, vector<16xi1>
        tpu.vector_store %arg12[%swap3A_305, %swap3A_306], %get3A_125 masked %gt3A_251 {strides = array<i32>} : memref<128x128xf32, #tpu.memory_space<vmem>>, vector<16xf32>, vector<16xi1>
        %broadcast_in_dim3A_308 = arith.constant 129 : i32
        %broadcast_in_dim3A_309 = vector.broadcast %broadcast_in_dim3A_308 : i32 to vector<16xi32>
        %mul3A_310 = arith.constant 2 : i32
        %mul3A_311 = arith.muli %mul3A_310, %scan3A_243 : i32
        %add3A_312 = vector.broadcast %mul3A_311 : i32 to vector<16xi32>
        %add3A_313 = arith.addi %broadcast_in_dim3A_309, %add3A_312 : vector<16xi32>
        %gather3A_314 = tpu.vector_load_idx %arg17[%add3A_313] : memref<640xi32, #tpu.memory_space<vmem>>[vector<16xi32>], vector<16xi32>,
        %gt3A_315 = arith.constant 0 : i32
        %gt3A_316 = vector.broadcast %gt3A_315 : i32 to vector<16xi32>
        %gt3A_317 = arith.cmpi sgt, %gather3A_314, %gt3A_316 : vector<16xi32>
        %mul3A_318 = arith.constant 2 : i32
        %mul3A_319 = arith.muli %mul3A_318, %scan3A_243 : i32
        %add3A_320 = arith.constant 1 : i32
        %add3A_321 = arith.addi %mul3A_319, %add3A_320 : i32
        %swap3A_322 = arith.index_cast %add3A_321 : i32 to index
        %swap3A_323 = arith.constant 0 : index
        %swap3A_324 = tpu.vector_load %arg12[%swap3A_322, %swap3A_323] masked %gt3A_317 {strides = array<i32>} : memref<128x128xf32, #tpu.memory_space<vmem>>, vector<16xf32>, vector<16xi1>
        tpu.vector_store %arg12[%swap3A_322, %swap3A_323], %get3A_111 masked %gt3A_317 {strides = array<i32>} : memref<128x128xf32, #tpu.memory_space<vmem>>, vector<16xf32>, vector<16xi1>
        %mul3A_325 = arith.constant 2 : i32
        %mul3A_326 = arith.muli %mul3A_325, %scan3A_243 : i32
        %add3A_327 = arith.constant 1 : i32
        %add3A_328 = arith.addi %mul3A_326, %add3A_327 : i32
        %swap3A_329 = arith.index_cast %add3A_328 : i32 to index
        %swap3A_330 = arith.constant 16 : index
        %swap3A_331 = tpu.vector_load %arg12[%swap3A_329, %swap3A_330] masked %gt3A_317 {strides = array<i32>} : memref<128x128xf32, #tpu.memory_space<vmem>>, vector<16xf32>, vector<16xi1>
        tpu.vector_store %arg12[%swap3A_329, %swap3A_330], %get3A_113 masked %gt3A_317 {strides = array<i32>} : memref<128x128xf32, #tpu.memory_space<vmem>>, vector<16xf32>, vector<16xi1>
        %mul3A_332 = arith.constant 2 : i32
        %mul3A_333 = arith.muli %mul3A_332, %scan3A_243 : i32
        %add3A_334 = arith.constant 1 : i32
        %add3A_335 = arith.addi %mul3A_333, %add3A_334 : i32
        %swap3A_336 = arith.index_cast %add3A_335 : i32 to index
        %swap3A_337 = arith.constant 32 : index
        %swap3A_338 = tpu.vector_load %arg12[%swap3A_336, %swap3A_337] masked %gt3A_317 {strides = array<i32>} : memref<128x128xf32, #tpu.memory_space<vmem>>, vector<16xf32>, vector<16xi1>
        tpu.vector_store %arg12[%swap3A_336, %swap3A_337], %get3A_115 masked %gt3A_317 {strides = array<i32>} : memref<128x128xf32, #tpu.memory_space<vmem>>, vector<16xf32>, vector<16xi1>
        %mul3A_339 = arith.constant 2 : i32
        %mul3A_340 = arith.muli %mul3A_339, %scan3A_243 : i32
        %add3A_341 = arith.constant 1 : i32
        %add3A_342 = arith.addi %mul3A_340, %add3A_341 : i32
        %swap3A_343 = arith.index_cast %add3A_342 : i32 to index
        %swap3A_344 = arith.constant 48 : index
        %swap3A_345 = tpu.vector_load %arg12[%swap3A_343, %swap3A_344] masked %gt3A_317 {strides = array<i32>} : memref<128x128xf32, #tpu.memory_space<vmem>>, vector<16xf32>, vector<16xi1>
        tpu.vector_store %arg12[%swap3A_343, %swap3A_344], %get3A_117 masked %gt3A_317 {strides = array<i32>} : memref<128x128xf32, #tpu.memory_space<vmem>>, vector<16xf32>, vector<16xi1>
        %mul3A_346 = arith.constant 2 : i32
        %mul3A_347 = arith.muli %mul3A_346, %scan3A_243 : i32
        %add3A_348 = arith.constant 1 : i32
        %add3A_349 = arith.addi %mul3A_347, %add3A_348 : i32
        %swap3A_350 = arith.index_cast %add3A_349 : i32 to index
        %swap3A_351 = arith.constant 64 : index
        %swap3A_352 = tpu.vector_load %arg12[%swap3A_350, %swap3A_351] masked %gt3A_317 {strides = array<i32>} : memref<128x128xf32, #tpu.memory_space<vmem>>, vector<16xf32>, vector<16xi1>
        tpu.vector_store %arg12[%swap3A_350, %swap3A_351], %get3A_119 masked %gt3A_317 {strides = array<i32>} : memref<128x128xf32, #tpu.memory_space<vmem>>, vector<16xf32>, vector<16xi1>
        %mul3A_353 = arith.constant 2 : i32
        %mul3A_354 = arith.muli %mul3A_353, %scan3A_243 : i32
        %add3A_355 = arith.constant 1 : i32
        %add3A_356 = arith.addi %mul3A_354, %add3A_355 : i32
        %swap3A_357 = arith.index_cast %add3A_356 : i32 to index
        %swap3A_358 = arith.constant 80 : index
        %swap3A_359 = tpu.vector_load %arg12[%swap3A_357, %swap3A_358] masked %gt3A_317 {strides = array<i32>} : memref<128x128xf32, #tpu.memory_space<vmem>>, vector<16xf32>, vector<16xi1>
        tpu.vector_store %arg12[%swap3A_357, %swap3A_358], %get3A_121 masked %gt3A_317 {strides = array<i32>} : memref<128x128xf32, #tpu.memory_space<vmem>>, vector<16xf32>, vector<16xi1>
        %mul3A_360 = arith.constant 2 : i32
        %mul3A_361 = arith.muli %mul3A_360, %scan3A_243 : i32
        %add3A_362 = arith.constant 1 : i32
        %add3A_363 = arith.addi %mul3A_361, %add3A_362 : i32
        %swap3A_364 = arith.index_cast %add3A_363 : i32 to index
        %swap3A_365 = arith.constant 96 : index
        %swap3A_366 = tpu.vector_load %arg12[%swap3A_364, %swap3A_365] masked %gt3A_317 {strides = array<i32>} : memref<128x128xf32, #tpu.memory_space<vmem>>, vector<16xf32>, vector<16xi1>
        tpu.vector_store %arg12[%swap3A_364, %swap3A_365], %get3A_123 masked %gt3A_317 {strides = array<i32>} : memref<128x128xf32, #tpu.memory_space<vmem>>, vector<16xf32>, vector<16xi1>
        %mul3A_367 = arith.constant 2 : i32
        %mul3A_368 = arith.muli %mul3A_367, %scan3A_243 : i32
        %add3A_369 = arith.constant 1 : i32
        %add3A_370 = arith.addi %mul3A_368, %add3A_369 : i32
        %swap3A_371 = arith.index_cast %add3A_370 : i32 to index
        %swap3A_372 = arith.constant 112 : index
        %swap3A_373 = tpu.vector_load %arg12[%swap3A_371, %swap3A_372] masked %gt3A_317 {strides = array<i32>} : memref<128x128xf32, #tpu.memory_space<vmem>>, vector<16xf32>, vector<16xi1>
        tpu.vector_store %arg12[%swap3A_371, %swap3A_372], %get3A_125 masked %gt3A_317 {strides = array<i32>} : memref<128x128xf32, #tpu.memory_space<vmem>>, vector<16xf32>, vector<16xi1>
      }
      %scan3A_156 = arith.constant 64 : i32
      %add3A_157 = arith.constant 128 : i32
      %add3A_158 = arith.addi %min3A_16, %add3A_157 : i32
      %dma_start3A_159 = arith.constant 0 : i32
      %dma_start3A_160 = tpu.memref_slice %arg6[%add3A_158, %dma_start3A_159] : memref<10000x128xf32, #tpu.memory_space<hbm>> -> memref<128x128xf32, #tpu.memory_space<hbm>>
      %dma_start3A_161 = arith.constant 0 : i32
      %dma_start3A_162 = tpu.memref_slice %arg6[%add3A_158, %dma_start3A_161] : memref<10000x128xf32, #tpu.memory_space<hbm>> -> memref<128x128xf32, #tpu.memory_space<hbm>>
      tpu.enqueue_dma source(%arg12 : memref<128x128xf32, #tpu.memory_space<vmem>>) target(%dma_start3A_162 : memref<128x128xf32, #tpu.memory_space<hbm>>) target_semaphore(%arg23 : memref<!tpu.dma_semaphore, #tpu.memory_space<semaphore_mem>>)
      %dma_wait3A_163 = arith.constant 0 : i32
      %dma_wait3A_164 = tpu.memref_slice %arg6[%add3A_136, %dma_wait3A_163] : memref<10000x128xf32, #tpu.memory_space<hbm>> -> memref<128x128xf32, #tpu.memory_space<hbm>>
      %dma_wait3A_165 = arith.constant 0 : i32
      %dma_wait3A_166 = tpu.memref_slice %arg6[%add3A_136, %dma_wait3A_165] : memref<10000x128xf32, #tpu.memory_space<hbm>> -> memref<128x128xf32, #tpu.memory_space<hbm>>
      tpu.wait_dma2 semaphore(%arg22 : memref<!tpu.dma_semaphore, #tpu.memory_space<semaphore_mem>>) src(%arg11 : memref<128x128xf32, #tpu.memory_space<vmem>>) dst(%dma_wait3A_166 : memref<128x128xf32, #tpu.memory_space<hbm>>)
      %add3A_167 = arith.constant 384 : i32
      %add3A_168 = arith.addi %min3A_16, %add3A_167 : i32
      %dma_start3A_169 = arith.constant 0 : i32
      %dma_start3A_170 = tpu.memref_slice %arg2[%add3A_168, %dma_start3A_169] : memref<10000x128xf32, #tpu.memory_space<hbm>> -> memref<128x128xf32, #tpu.memory_space<hbm>>
      %dma_start3A_171 = arith.constant 0 : i32
      %dma_start3A_172 = tpu.memref_slice %arg2[%add3A_168, %dma_start3A_171] : memref<10000x128xf32, #tpu.memory_space<hbm>> -> memref<128x128xf32, #tpu.memory_space<hbm>>
      tpu.enqueue_dma source(%dma_start3A_172 : memref<128x128xf32, #tpu.memory_space<hbm>>) target(%arg11 : memref<128x128xf32, #tpu.memory_space<vmem>>) target_semaphore(%arg19 : memref<!tpu.dma_semaphore, #tpu.memory_space<semaphore_mem>>)
      %dma_wait3A_173 = arith.constant 0 : i32
      %dma_wait3A_174 = tpu.memref_slice %arg2[%add3A_142, %dma_wait3A_173] : memref<10000x128xf32, #tpu.memory_space<hbm>> -> memref<128x128xf32, #tpu.memory_space<hbm>>
      %dma_wait3A_175 = arith.constant 0 : i32
      %dma_wait3A_176 = tpu.memref_slice %arg2[%add3A_142, %dma_wait3A_175] : memref<10000x128xf32, #tpu.memory_space<hbm>> -> memref<128x128xf32, #tpu.memory_space<hbm>>
      tpu.wait_dma2 semaphore(%arg21 : memref<!tpu.dma_semaphore, #tpu.memory_space<semaphore_mem>>) src(%dma_wait3A_176 : memref<128x128xf32, #tpu.memory_space<hbm>>) dst(%arg13 : memref<128x128xf32, #tpu.memory_space<vmem>>)
      %scan3A_177 = arith.constant 0 : i32
      %scan3A_178 = arith.constant 0 : i32
      %scan3A_179 = arith.constant 64 : i32
      %scan3A_180 = arith.addi %scan3A_178, %scan3A_179 : i32
      %scan3A_181 = arith.constant 1 : i32
      scf.for %scan3A_243 = %scan3A_178 to %scan3A_180 step %scan3A_181  : i32 {
        %broadcast_in_dim3A_244 = arith.constant 256 : i32
        %broadcast_in_dim3A_245 = vector.broadcast %broadcast_in_dim3A_244 : i32 to vector<16xi32>
        %mul3A_246 = arith.constant 2 : i32
        %mul3A_247 = arith.muli %mul3A_246, %scan3A_243 : i32
        %add3A_248 = vector.broadcast %mul3A_247 : i32 to vector<16xi32>
        %add3A_249 = arith.addi %broadcast_in_dim3A_245, %add3A_248 : vector<16xi32>
        %gather3A = tpu.vector_load_idx %arg17[%add3A_249] : memref<640xi32, #tpu.memory_space<vmem>>[vector<16xi32>], vector<16xi32>,
        %gt3A = arith.constant 0 : i32
        %gt3A_250 = vector.broadcast %gt3A : i32 to vector<16xi32>
        %gt3A_251 = arith.cmpi sgt, %gather3A, %gt3A_250 : vector<16xi32>
        %mul3A_252 = arith.constant 2 : i32
        %mul3A_253 = arith.muli %mul3A_252, %scan3A_243 : i32
        %add3A_254 = arith.constant 0 : i32
        %add3A_255 = arith.addi %mul3A_253, %add3A_254 : i32
        %swap3A_256 = arith.index_cast %add3A_255 : i32 to index
        %swap3A_257 = arith.constant 0 : index
        %swap3A_258 = tpu.vector_load %arg13[%swap3A_256, %swap3A_257] masked %gt3A_251 {strides = array<i32>} : memref<128x128xf32, #tpu.memory_space<vmem>>, vector<16xf32>, vector<16xi1>
        tpu.vector_store %arg13[%swap3A_256, %swap3A_257], %get3A_111 masked %gt3A_251 {strides = array<i32>} : memref<128x128xf32, #tpu.memory_space<vmem>>, vector<16xf32>, vector<16xi1>
        %mul3A_259 = arith.constant 2 : i32
        %mul3A_260 = arith.muli %mul3A_259, %scan3A_243 : i32
        %add3A_261 = arith.constant 0 : i32
        %add3A_262 = arith.addi %mul3A_260, %add3A_261 : i32
        %swap3A_263 = arith.index_cast %add3A_262 : i32 to index
        %swap3A_264 = arith.constant 16 : index
        %swap3A_265 = tpu.vector_load %arg13[%swap3A_263, %swap3A_264] masked %gt3A_251 {strides = array<i32>} : memref<128x128xf32, #tpu.memory_space<vmem>>, vector<16xf32>, vector<16xi1>
        tpu.vector_store %arg13[%swap3A_263, %swap3A_264], %get3A_113 masked %gt3A_251 {strides = array<i32>} : memref<128x128xf32, #tpu.memory_space<vmem>>, vector<16xf32>, vector<16xi1>
        %mul3A_266 = arith.constant 2 : i32
        %mul3A_267 = arith.muli %mul3A_266, %scan3A_243 : i32
        %add3A_268 = arith.constant 0 : i32
        %add3A_269 = arith.addi %mul3A_267, %add3A_268 : i32
        %swap3A_270 = arith.index_cast %add3A_269 : i32 to index
        %swap3A_271 = arith.constant 32 : index
        %swap3A_272 = tpu.vector_load %arg13[%swap3A_270, %swap3A_271] masked %gt3A_251 {strides = array<i32>} : memref<128x128xf32, #tpu.memory_space<vmem>>, vector<16xf32>, vector<16xi1>
        tpu.vector_store %arg13[%swap3A_270, %swap3A_271], %get3A_115 masked %gt3A_251 {strides = array<i32>} : memref<128x128xf32, #tpu.memory_space<vmem>>, vector<16xf32>, vector<16xi1>
        %mul3A_273 = arith.constant 2 : i32
        %mul3A_274 = arith.muli %mul3A_273, %scan3A_243 : i32
        %add3A_275 = arith.constant 0 : i32
        %add3A_276 = arith.addi %mul3A_274, %add3A_275 : i32
        %swap3A_277 = arith.index_cast %add3A_276 : i32 to index
        %swap3A_278 = arith.constant 48 : index
        %swap3A_279 = tpu.vector_load %arg13[%swap3A_277, %swap3A_278] masked %gt3A_251 {strides = array<i32>} : memref<128x128xf32, #tpu.memory_space<vmem>>, vector<16xf32>, vector<16xi1>
        tpu.vector_store %arg13[%swap3A_277, %swap3A_278], %get3A_117 masked %gt3A_251 {strides = array<i32>} : memref<128x128xf32, #tpu.memory_space<vmem>>, vector<16xf32>, vector<16xi1>
        %mul3A_280 = arith.constant 2 : i32
        %mul3A_281 = arith.muli %mul3A_280, %scan3A_243 : i32
        %add3A_282 = arith.constant 0 : i32
        %add3A_283 = arith.addi %mul3A_281, %add3A_282 : i32
        %swap3A_284 = arith.index_cast %add3A_283 : i32 to index
        %swap3A_285 = arith.constant 64 : index
        %swap3A_286 = tpu.vector_load %arg13[%swap3A_284, %swap3A_285] masked %gt3A_251 {strides = array<i32>} : memref<128x128xf32, #tpu.memory_space<vmem>>, vector<16xf32>, vector<16xi1>
        tpu.vector_store %arg13[%swap3A_284, %swap3A_285], %get3A_119 masked %gt3A_251 {strides = array<i32>} : memref<128x128xf32, #tpu.memory_space<vmem>>, vector<16xf32>, vector<16xi1>
        %mul3A_287 = arith.constant 2 : i32
        %mul3A_288 = arith.muli %mul3A_287, %scan3A_243 : i32
        %add3A_289 = arith.constant 0 : i32
        %add3A_290 = arith.addi %mul3A_288, %add3A_289 : i32
        %swap3A_291 = arith.index_cast %add3A_290 : i32 to index
        %swap3A_292 = arith.constant 80 : index
        %swap3A_293 = tpu.vector_load %arg13[%swap3A_291, %swap3A_292] masked %gt3A_251 {strides = array<i32>} : memref<128x128xf32, #tpu.memory_space<vmem>>, vector<16xf32>, vector<16xi1>
        tpu.vector_store %arg13[%swap3A_291, %swap3A_292], %get3A_121 masked %gt3A_251 {strides = array<i32>} : memref<128x128xf32, #tpu.memory_space<vmem>>, vector<16xf32>, vector<16xi1>
        %mul3A_294 = arith.constant 2 : i32
        %mul3A_295 = arith.muli %mul3A_294, %scan3A_243 : i32
        %add3A_296 = arith.constant 0 : i32
        %add3A_297 = arith.addi %mul3A_295, %add3A_296 : i32
        %swap3A_298 = arith.index_cast %add3A_297 : i32 to index
        %swap3A_299 = arith.constant 96 : index
        %swap3A_300 = tpu.vector_load %arg13[%swap3A_298, %swap3A_299] masked %gt3A_251 {strides = array<i32>} : memref<128x128xf32, #tpu.memory_space<vmem>>, vector<16xf32>, vector<16xi1>
        tpu.vector_store %arg13[%swap3A_298, %swap3A_299], %get3A_123 masked %gt3A_251 {strides = array<i32>} : memref<128x128xf32, #tpu.memory_space<vmem>>, vector<16xf32>, vector<16xi1>
        %mul3A_301 = arith.constant 2 : i32
        %mul3A_302 = arith.muli %mul3A_301, %scan3A_243 : i32
        %add3A_303 = arith.constant 0 : i32
        %add3A_304 = arith.addi %mul3A_302, %add3A_303 : i32
        %swap3A_305 = arith.index_cast %add3A_304 : i32 to index
        %swap3A_306 = arith.constant 112 : index
        %swap3A_307 = tpu.vector_load %arg13[%swap3A_305, %swap3A_306] masked %gt3A_251 {strides = array<i32>} : memref<128x128xf32, #tpu.memory_space<vmem>>, vector<16xf32>, vector<16xi1>
        tpu.vector_store %arg13[%swap3A_305, %swap3A_306], %get3A_125 masked %gt3A_251 {strides = array<i32>} : memref<128x128xf32, #tpu.memory_space<vmem>>, vector<16xf32>, vector<16xi1>
        %broadcast_in_dim3A_308 = arith.constant 257 : i32
        %broadcast_in_dim3A_309 = vector.broadcast %broadcast_in_dim3A_308 : i32 to vector<16xi32>
        %mul3A_310 = arith.constant 2 : i32
        %mul3A_311 = arith.muli %mul3A_310, %scan3A_243 : i32
        %add3A_312 = vector.broadcast %mul3A_311 : i32 to vector<16xi32>
        %add3A_313 = arith.addi %broadcast_in_dim3A_309, %add3A_312 : vector<16xi32>
        %gather3A_314 = tpu.vector_load_idx %arg17[%add3A_313] : memref<640xi32, #tpu.memory_space<vmem>>[vector<16xi32>], vector<16xi32>,
        %gt3A_315 = arith.constant 0 : i32
        %gt3A_316 = vector.broadcast %gt3A_315 : i32 to vector<16xi32>
        %gt3A_317 = arith.cmpi sgt, %gather3A_314, %gt3A_316 : vector<16xi32>
        %mul3A_318 = arith.constant 2 : i32
        %mul3A_319 = arith.muli %mul3A_318, %scan3A_243 : i32
        %add3A_320 = arith.constant 1 : i32
        %add3A_321 = arith.addi %mul3A_319, %add3A_320 : i32
        %swap3A_322 = arith.index_cast %add3A_321 : i32 to index
        %swap3A_323 = arith.constant 0 : index
        %swap3A_324 = tpu.vector_load %arg13[%swap3A_322, %swap3A_323] masked %gt3A_317 {strides = array<i32>} : memref<128x128xf32, #tpu.memory_space<vmem>>, vector<16xf32>, vector<16xi1>
        tpu.vector_store %arg13[%swap3A_322, %swap3A_323], %get3A_111 masked %gt3A_317 {strides = array<i32>} : memref<128x128xf32, #tpu.memory_space<vmem>>, vector<16xf32>, vector<16xi1>
        %mul3A_325 = arith.constant 2 : i32
        %mul3A_326 = arith.muli %mul3A_325, %scan3A_243 : i32
        %add3A_327 = arith.constant 1 : i32
        %add3A_328 = arith.addi %mul3A_326, %add3A_327 : i32
        %swap3A_329 = arith.index_cast %add3A_328 : i32 to index
        %swap3A_330 = arith.constant 16 : index
        %swap3A_331 = tpu.vector_load %arg13[%swap3A_329, %swap3A_330] masked %gt3A_317 {strides = array<i32>} : memref<128x128xf32, #tpu.memory_space<vmem>>, vector<16xf32>, vector<16xi1>
        tpu.vector_store %arg13[%swap3A_329, %swap3A_330], %get3A_113 masked %gt3A_317 {strides = array<i32>} : memref<128x128xf32, #tpu.memory_space<vmem>>, vector<16xf32>, vector<16xi1>
        %mul3A_332 = arith.constant 2 : i32
        %mul3A_333 = arith.muli %mul3A_332, %scan3A_243 : i32
        %add3A_334 = arith.constant 1 : i32
        %add3A_335 = arith.addi %mul3A_333, %add3A_334 : i32
        %swap3A_336 = arith.index_cast %add3A_335 : i32 to index
        %swap3A_337 = arith.constant 32 : index
        %swap3A_338 = tpu.vector_load %arg13[%swap3A_336, %swap3A_337] masked %gt3A_317 {strides = array<i32>} : memref<128x128xf32, #tpu.memory_space<vmem>>, vector<16xf32>, vector<16xi1>
        tpu.vector_store %arg13[%swap3A_336, %swap3A_337], %get3A_115 masked %gt3A_317 {strides = array<i32>} : memref<128x128xf32, #tpu.memory_space<vmem>>, vector<16xf32>, vector<16xi1>
        %mul3A_339 = arith.constant 2 : i32
        %mul3A_340 = arith.muli %mul3A_339, %scan3A_243 : i32
        %add3A_341 = arith.constant 1 : i32
        %add3A_342 = arith.addi %mul3A_340, %add3A_341 : i32
        %swap3A_343 = arith.index_cast %add3A_342 : i32 to index
        %swap3A_344 = arith.constant 48 : index
        %swap3A_345 = tpu.vector_load %arg13[%swap3A_343, %swap3A_344] masked %gt3A_317 {strides = array<i32>} : memref<128x128xf32, #tpu.memory_space<vmem>>, vector<16xf32>, vector<16xi1>
        tpu.vector_store %arg13[%swap3A_343, %swap3A_344], %get3A_117 masked %gt3A_317 {strides = array<i32>} : memref<128x128xf32, #tpu.memory_space<vmem>>, vector<16xf32>, vector<16xi1>
        %mul3A_346 = arith.constant 2 : i32
        %mul3A_347 = arith.muli %mul3A_346, %scan3A_243 : i32
        %add3A_348 = arith.constant 1 : i32
        %add3A_349 = arith.addi %mul3A_347, %add3A_348 : i32
        %swap3A_350 = arith.index_cast %add3A_349 : i32 to index
        %swap3A_351 = arith.constant 64 : index
        %swap3A_352 = tpu.vector_load %arg13[%swap3A_350, %swap3A_351] masked %gt3A_317 {strides = array<i32>} : memref<128x128xf32, #tpu.memory_space<vmem>>, vector<16xf32>, vector<16xi1>
        tpu.vector_store %arg13[%swap3A_350, %swap3A_351], %get3A_119 masked %gt3A_317 {strides = array<i32>} : memref<128x128xf32, #tpu.memory_space<vmem>>, vector<16xf32>, vector<16xi1>
        %mul3A_353 = arith.constant 2 : i32
        %mul3A_354 = arith.muli %mul3A_353, %scan3A_243 : i32
        %add3A_355 = arith.constant 1 : i32
        %add3A_356 = arith.addi %mul3A_354, %add3A_355 : i32
        %swap3A_357 = arith.index_cast %add3A_356 : i32 to index
        %swap3A_358 = arith.constant 80 : index
        %swap3A_359 = tpu.vector_load %arg13[%swap3A_357, %swap3A_358] masked %gt3A_317 {strides = array<i32>} : memref<128x128xf32, #tpu.memory_space<vmem>>, vector<16xf32>, vector<16xi1>
        tpu.vector_store %arg13[%swap3A_357, %swap3A_358], %get3A_121 masked %gt3A_317 {strides = array<i32>} : memref<128x128xf32, #tpu.memory_space<vmem>>, vector<16xf32>, vector<16xi1>
        %mul3A_360 = arith.constant 2 : i32
        %mul3A_361 = arith.muli %mul3A_360, %scan3A_243 : i32
        %add3A_362 = arith.constant 1 : i32
        %add3A_363 = arith.addi %mul3A_361, %add3A_362 : i32
        %swap3A_364 = arith.index_cast %add3A_363 : i32 to index
        %swap3A_365 = arith.constant 96 : index
        %swap3A_366 = tpu.vector_load %arg13[%swap3A_364, %swap3A_365] masked %gt3A_317 {strides = array<i32>} : memref<128x128xf32, #tpu.memory_space<vmem>>, vector<16xf32>, vector<16xi1>
        tpu.vector_store %arg13[%swap3A_364, %swap3A_365], %get3A_123 masked %gt3A_317 {strides = array<i32>} : memref<128x128xf32, #tpu.memory_space<vmem>>, vector<16xf32>, vector<16xi1>
        %mul3A_367 = arith.constant 2 : i32
        %mul3A_368 = arith.muli %mul3A_367, %scan3A_243 : i32
        %add3A_369 = arith.constant 1 : i32
        %add3A_370 = arith.addi %mul3A_368, %add3A_369 : i32
        %swap3A_371 = arith.index_cast %add3A_370 : i32 to index
        %swap3A_372 = arith.constant 112 : index
        %swap3A_373 = tpu.vector_load %arg13[%swap3A_371, %swap3A_372] masked %gt3A_317 {strides = array<i32>} : memref<128x128xf32, #tpu.memory_space<vmem>>, vector<16xf32>, vector<16xi1>
        tpu.vector_store %arg13[%swap3A_371, %swap3A_372], %get3A_125 masked %gt3A_317 {strides = array<i32>} : memref<128x128xf32, #tpu.memory_space<vmem>>, vector<16xf32>, vector<16xi1>
      }
      %scan3A_182 = arith.constant 64 : i32
      %add3A_183 = arith.constant 256 : i32
      %add3A_184 = arith.addi %min3A_16, %add3A_183 : i32
      %dma_start3A_185 = arith.constant 0 : i32
      %dma_start3A_186 = tpu.memref_slice %arg6[%add3A_184, %dma_start3A_185] : memref<10000x128xf32, #tpu.memory_space<hbm>> -> memref<128x128xf32, #tpu.memory_space<hbm>>
      %dma_start3A_187 = arith.constant 0 : i32
      %dma_start3A_188 = tpu.memref_slice %arg6[%add3A_184, %dma_start3A_187] : memref<10000x128xf32, #tpu.memory_space<hbm>> -> memref<128x128xf32, #tpu.memory_space<hbm>>
      tpu.enqueue_dma source(%arg13 : memref<128x128xf32, #tpu.memory_space<vmem>>) target(%dma_start3A_188 : memref<128x128xf32, #tpu.memory_space<hbm>>) target_semaphore(%arg24 : memref<!tpu.dma_semaphore, #tpu.memory_space<semaphore_mem>>)
      %dma_wait3A_189 = arith.constant 0 : i32
      %dma_wait3A_190 = tpu.memref_slice %arg6[%add3A_158, %dma_wait3A_189] : memref<10000x128xf32, #tpu.memory_space<hbm>> -> memref<128x128xf32, #tpu.memory_space<hbm>>
      %dma_wait3A_191 = arith.constant 0 : i32
      %dma_wait3A_192 = tpu.memref_slice %arg6[%add3A_158, %dma_wait3A_191] : memref<10000x128xf32, #tpu.memory_space<hbm>> -> memref<128x128xf32, #tpu.memory_space<hbm>>
      tpu.wait_dma2 semaphore(%arg23 : memref<!tpu.dma_semaphore, #tpu.memory_space<semaphore_mem>>) src(%arg12 : memref<128x128xf32, #tpu.memory_space<vmem>>) dst(%dma_wait3A_192 : memref<128x128xf32, #tpu.memory_space<hbm>>)
      %add3A_193 = arith.constant 512 : i32
      %add3A_194 = arith.addi %min3A_16, %add3A_193 : i32
      %dma_start3A_195 = arith.constant 0 : i32
      %dma_start3A_196 = tpu.memref_slice %arg2[%add3A_194, %dma_start3A_195] : memref<10000x128xf32, #tpu.memory_space<hbm>> -> memref<128x128xf32, #tpu.memory_space<hbm>>
      %dma_start3A_197 = arith.constant 0 : i32
      %dma_start3A_198 = tpu.memref_slice %arg2[%add3A_194, %dma_start3A_197] : memref<10000x128xf32, #tpu.memory_space<hbm>> -> memref<128x128xf32, #tpu.memory_space<hbm>>
      tpu.enqueue_dma source(%dma_start3A_198 : memref<128x128xf32, #tpu.memory_space<hbm>>) target(%arg12 : memref<128x128xf32, #tpu.memory_space<vmem>>) target_semaphore(%arg20 : memref<!tpu.dma_semaphore, #tpu.memory_space<semaphore_mem>>)
      %dma_wait3A_199 = arith.constant 0 : i32
      %dma_wait3A_200 = tpu.memref_slice %arg2[%add3A_168, %dma_wait3A_199] : memref<10000x128xf32, #tpu.memory_space<hbm>> -> memref<128x128xf32, #tpu.memory_space<hbm>>
      %dma_wait3A_201 = arith.constant 0 : i32
      %dma_wait3A_202 = tpu.memref_slice %arg2[%add3A_168, %dma_wait3A_201] : memref<10000x128xf32, #tpu.memory_space<hbm>> -> memref<128x128xf32, #tpu.memory_space<hbm>>
      tpu.wait_dma2 semaphore(%arg19 : memref<!tpu.dma_semaphore, #tpu.memory_space<semaphore_mem>>) src(%dma_wait3A_202 : memref<128x128xf32, #tpu.memory_space<hbm>>) dst(%arg11 : memref<128x128xf32, #tpu.memory_space<vmem>>)
      %scan3A_203 = arith.constant 0 : i32
      %scan3A_204 = arith.constant 0 : i32
      %scan3A_205 = arith.constant 64 : i32
      %scan3A_206 = arith.addi %scan3A_204, %scan3A_205 : i32
      %scan3A_207 = arith.constant 1 : i32
      scf.for %scan3A_243 = %scan3A_204 to %scan3A_206 step %scan3A_207  : i32 {
        %broadcast_in_dim3A_244 = arith.constant 384 : i32
        %broadcast_in_dim3A_245 = vector.broadcast %broadcast_in_dim3A_244 : i32 to vector<16xi32>
        %mul3A_246 = arith.constant 2 : i32
        %mul3A_247 = arith.muli %mul3A_246, %scan3A_243 : i32
        %add3A_248 = vector.broadcast %mul3A_247 : i32 to vector<16xi32>
        %add3A_249 = arith.addi %broadcast_in_dim3A_245, %add3A_248 : vector<16xi32>
        %gather3A = tpu.vector_load_idx %arg17[%add3A_249] : memref<640xi32, #tpu.memory_space<vmem>>[vector<16xi32>], vector<16xi32>,
        %gt3A = arith.constant 0 : i32
        %gt3A_250 = vector.broadcast %gt3A : i32 to vector<16xi32>
        %gt3A_251 = arith.cmpi sgt, %gather3A, %gt3A_250 : vector<16xi32>
        %mul3A_252 = arith.constant 2 : i32
        %mul3A_253 = arith.muli %mul3A_252, %scan3A_243 : i32
        %add3A_254 = arith.constant 0 : i32
        %add3A_255 = arith.addi %mul3A_253, %add3A_254 : i32
        %swap3A_256 = arith.index_cast %add3A_255 : i32 to index
        %swap3A_257 = arith.constant 0 : index
        %swap3A_258 = tpu.vector_load %arg11[%swap3A_256, %swap3A_257] masked %gt3A_251 {strides = array<i32>} : memref<128x128xf32, #tpu.memory_space<vmem>>, vector<16xf32>, vector<16xi1>
        tpu.vector_store %arg11[%swap3A_256, %swap3A_257], %get3A_111 masked %gt3A_251 {strides = array<i32>} : memref<128x128xf32, #tpu.memory_space<vmem>>, vector<16xf32>, vector<16xi1>
        %mul3A_259 = arith.constant 2 : i32
        %mul3A_260 = arith.muli %mul3A_259, %scan3A_243 : i32
        %add3A_261 = arith.constant 0 : i32
        %add3A_262 = arith.addi %mul3A_260, %add3A_261 : i32
        %swap3A_263 = arith.index_cast %add3A_262 : i32 to index
        %swap3A_264 = arith.constant 16 : index
        %swap3A_265 = tpu.vector_load %arg11[%swap3A_263, %swap3A_264] masked %gt3A_251 {strides = array<i32>} : memref<128x128xf32, #tpu.memory_space<vmem>>, vector<16xf32>, vector<16xi1>
        tpu.vector_store %arg11[%swap3A_263, %swap3A_264], %get3A_113 masked %gt3A_251 {strides = array<i32>} : memref<128x128xf32, #tpu.memory_space<vmem>>, vector<16xf32>, vector<16xi1>
        %mul3A_266 = arith.constant 2 : i32
        %mul3A_267 = arith.muli %mul3A_266, %scan3A_243 : i32
        %add3A_268 = arith.constant 0 : i32
        %add3A_269 = arith.addi %mul3A_267, %add3A_268 : i32
        %swap3A_270 = arith.index_cast %add3A_269 : i32 to index
        %swap3A_271 = arith.constant 32 : index
        %swap3A_272 = tpu.vector_load %arg11[%swap3A_270, %swap3A_271] masked %gt3A_251 {strides = array<i32>} : memref<128x128xf32, #tpu.memory_space<vmem>>, vector<16xf32>, vector<16xi1>
        tpu.vector_store %arg11[%swap3A_270, %swap3A_271], %get3A_115 masked %gt3A_251 {strides = array<i32>} : memref<128x128xf32, #tpu.memory_space<vmem>>, vector<16xf32>, vector<16xi1>
        %mul3A_273 = arith.constant 2 : i32
        %mul3A_274 = arith.muli %mul3A_273, %scan3A_243 : i32
        %add3A_275 = arith.constant 0 : i32
        %add3A_276 = arith.addi %mul3A_274, %add3A_275 : i32
        %swap3A_277 = arith.index_cast %add3A_276 : i32 to index
        %swap3A_278 = arith.constant 48 : index
        %swap3A_279 = tpu.vector_load %arg11[%swap3A_277, %swap3A_278] masked %gt3A_251 {strides = array<i32>} : memref<128x128xf32, #tpu.memory_space<vmem>>, vector<16xf32>, vector<16xi1>
        tpu.vector_store %arg11[%swap3A_277, %swap3A_278], %get3A_117 masked %gt3A_251 {strides = array<i32>} : memref<128x128xf32, #tpu.memory_space<vmem>>, vector<16xf32>, vector<16xi1>
        %mul3A_280 = arith.constant 2 : i32
        %mul3A_281 = arith.muli %mul3A_280, %scan3A_243 : i32
        %add3A_282 = arith.constant 0 : i32
        %add3A_283 = arith.addi %mul3A_281, %add3A_282 : i32
        %swap3A_284 = arith.index_cast %add3A_283 : i32 to index
        %swap3A_285 = arith.constant 64 : index
        %swap3A_286 = tpu.vector_load %arg11[%swap3A_284, %swap3A_285] masked %gt3A_251 {strides = array<i32>} : memref<128x128xf32, #tpu.memory_space<vmem>>, vector<16xf32>, vector<16xi1>
        tpu.vector_store %arg11[%swap3A_284, %swap3A_285], %get3A_119 masked %gt3A_251 {strides = array<i32>} : memref<128x128xf32, #tpu.memory_space<vmem>>, vector<16xf32>, vector<16xi1>
        %mul3A_287 = arith.constant 2 : i32
        %mul3A_288 = arith.muli %mul3A_287, %scan3A_243 : i32
        %add3A_289 = arith.constant 0 : i32
        %add3A_290 = arith.addi %mul3A_288, %add3A_289 : i32
        %swap3A_291 = arith.index_cast %add3A_290 : i32 to index
        %swap3A_292 = arith.constant 80 : index
        %swap3A_293 = tpu.vector_load %arg11[%swap3A_291, %swap3A_292] masked %gt3A_251 {strides = array<i32>} : memref<128x128xf32, #tpu.memory_space<vmem>>, vector<16xf32>, vector<16xi1>
        tpu.vector_store %arg11[%swap3A_291, %swap3A_292], %get3A_121 masked %gt3A_251 {strides = array<i32>} : memref<128x128xf32, #tpu.memory_space<vmem>>, vector<16xf32>, vector<16xi1>
        %mul3A_294 = arith.constant 2 : i32
        %mul3A_295 = arith.muli %mul3A_294, %scan3A_243 : i32
        %add3A_296 = arith.constant 0 : i32
        %add3A_297 = arith.addi %mul3A_295, %add3A_296 : i32
        %swap3A_298 = arith.index_cast %add3A_297 : i32 to index
        %swap3A_299 = arith.constant 96 : index
        %swap3A_300 = tpu.vector_load %arg11[%swap3A_298, %swap3A_299] masked %gt3A_251 {strides = array<i32>} : memref<128x128xf32, #tpu.memory_space<vmem>>, vector<16xf32>, vector<16xi1>
        tpu.vector_store %arg11[%swap3A_298, %swap3A_299], %get3A_123 masked %gt3A_251 {strides = array<i32>} : memref<128x128xf32, #tpu.memory_space<vmem>>, vector<16xf32>, vector<16xi1>
        %mul3A_301 = arith.constant 2 : i32
        %mul3A_302 = arith.muli %mul3A_301, %scan3A_243 : i32
        %add3A_303 = arith.constant 0 : i32
        %add3A_304 = arith.addi %mul3A_302, %add3A_303 : i32
        %swap3A_305 = arith.index_cast %add3A_304 : i32 to index
        %swap3A_306 = arith.constant 112 : index
        %swap3A_307 = tpu.vector_load %arg11[%swap3A_305, %swap3A_306] masked %gt3A_251 {strides = array<i32>} : memref<128x128xf32, #tpu.memory_space<vmem>>, vector<16xf32>, vector<16xi1>
        tpu.vector_store %arg11[%swap3A_305, %swap3A_306], %get3A_125 masked %gt3A_251 {strides = array<i32>} : memref<128x128xf32, #tpu.memory_space<vmem>>, vector<16xf32>, vector<16xi1>
        %broadcast_in_dim3A_308 = arith.constant 385 : i32
        %broadcast_in_dim3A_309 = vector.broadcast %broadcast_in_dim3A_308 : i32 to vector<16xi32>
        %mul3A_310 = arith.constant 2 : i32
        %mul3A_311 = arith.muli %mul3A_310, %scan3A_243 : i32
        %add3A_312 = vector.broadcast %mul3A_311 : i32 to vector<16xi32>
        %add3A_313 = arith.addi %broadcast_in_dim3A_309, %add3A_312 : vector<16xi32>
        %gather3A_314 = tpu.vector_load_idx %arg17[%add3A_313] : memref<640xi32, #tpu.memory_space<vmem>>[vector<16xi32>], vector<16xi32>,
        %gt3A_315 = arith.constant 0 : i32
        %gt3A_316 = vector.broadcast %gt3A_315 : i32 to vector<16xi32>
        %gt3A_317 = arith.cmpi sgt, %gather3A_314, %gt3A_316 : vector<16xi32>
        %mul3A_318 = arith.constant 2 : i32
        %mul3A_319 = arith.muli %mul3A_318, %scan3A_243 : i32
        %add3A_320 = arith.constant 1 : i32
        %add3A_321 = arith.addi %mul3A_319, %add3A_320 : i32
        %swap3A_322 = arith.index_cast %add3A_321 : i32 to index
        %swap3A_323 = arith.constant 0 : index
        %swap3A_324 = tpu.vector_load %arg11[%swap3A_322, %swap3A_323] masked %gt3A_317 {strides = array<i32>} : memref<128x128xf32, #tpu.memory_space<vmem>>, vector<16xf32>, vector<16xi1>
        tpu.vector_store %arg11[%swap3A_322, %swap3A_323], %get3A_111 masked %gt3A_317 {strides = array<i32>} : memref<128x128xf32, #tpu.memory_space<vmem>>, vector<16xf32>, vector<16xi1>
        %mul3A_325 = arith.constant 2 : i32
        %mul3A_326 = arith.muli %mul3A_325, %scan3A_243 : i32
        %add3A_327 = arith.constant 1 : i32
        %add3A_328 = arith.addi %mul3A_326, %add3A_327 : i32
        %swap3A_329 = arith.index_cast %add3A_328 : i32 to index
        %swap3A_330 = arith.constant 16 : index
        %swap3A_331 = tpu.vector_load %arg11[%swap3A_329, %swap3A_330] masked %gt3A_317 {strides = array<i32>} : memref<128x128xf32, #tpu.memory_space<vmem>>, vector<16xf32>, vector<16xi1>
        tpu.vector_store %arg11[%swap3A_329, %swap3A_330], %get3A_113 masked %gt3A_317 {strides = array<i32>} : memref<128x128xf32, #tpu.memory_space<vmem>>, vector<16xf32>, vector<16xi1>
        %mul3A_332 = arith.constant 2 : i32
        %mul3A_333 = arith.muli %mul3A_332, %scan3A_243 : i32
        %add3A_334 = arith.constant 1 : i32
        %add3A_335 = arith.addi %mul3A_333, %add3A_334 : i32
        %swap3A_336 = arith.index_cast %add3A_335 : i32 to index
        %swap3A_337 = arith.constant 32 : index
        %swap3A_338 = tpu.vector_load %arg11[%swap3A_336, %swap3A_337] masked %gt3A_317 {strides = array<i32>} : memref<128x128xf32, #tpu.memory_space<vmem>>, vector<16xf32>, vector<16xi1>
        tpu.vector_store %arg11[%swap3A_336, %swap3A_337], %get3A_115 masked %gt3A_317 {strides = array<i32>} : memref<128x128xf32, #tpu.memory_space<vmem>>, vector<16xf32>, vector<16xi1>
        %mul3A_339 = arith.constant 2 : i32
        %mul3A_340 = arith.muli %mul3A_339, %scan3A_243 : i32
        %add3A_341 = arith.constant 1 : i32
        %add3A_342 = arith.addi %mul3A_340, %add3A_341 : i32
        %swap3A_343 = arith.index_cast %add3A_342 : i32 to index
        %swap3A_344 = arith.constant 48 : index
        %swap3A_345 = tpu.vector_load %arg11[%swap3A_343, %swap3A_344] masked %gt3A_317 {strides = array<i32>} : memref<128x128xf32, #tpu.memory_space<vmem>>, vector<16xf32>, vector<16xi1>
        tpu.vector_store %arg11[%swap3A_343, %swap3A_344], %get3A_117 masked %gt3A_317 {strides = array<i32>} : memref<128x128xf32, #tpu.memory_space<vmem>>, vector<16xf32>, vector<16xi1>
        %mul3A_346 = arith.constant 2 : i32
        %mul3A_347 = arith.muli %mul3A_346, %scan3A_243 : i32
        %add3A_348 = arith.constant 1 : i32
        %add3A_349 = arith.addi %mul3A_347, %add3A_348 : i32
        %swap3A_350 = arith.index_cast %add3A_349 : i32 to index
        %swap3A_351 = arith.constant 64 : index
        %swap3A_352 = tpu.vector_load %arg11[%swap3A_350, %swap3A_351] masked %gt3A_317 {strides = array<i32>} : memref<128x128xf32, #tpu.memory_space<vmem>>, vector<16xf32>, vector<16xi1>
        tpu.vector_store %arg11[%swap3A_350, %swap3A_351], %get3A_119 masked %gt3A_317 {strides = array<i32>} : memref<128x128xf32, #tpu.memory_space<vmem>>, vector<16xf32>, vector<16xi1>
        %mul3A_353 = arith.constant 2 : i32
        %mul3A_354 = arith.muli %mul3A_353, %scan3A_243 : i32
        %add3A_355 = arith.constant 1 : i32
        %add3A_356 = arith.addi %mul3A_354, %add3A_355 : i32
        %swap3A_357 = arith.index_cast %add3A_356 : i32 to index
        %swap3A_358 = arith.constant 80 : index
        %swap3A_359 = tpu.vector_load %arg11[%swap3A_357, %swap3A_358] masked %gt3A_317 {strides = array<i32>} : memref<128x128xf32, #tpu.memory_space<vmem>>, vector<16xf32>, vector<16xi1>
        tpu.vector_store %arg11[%swap3A_357, %swap3A_358], %get3A_121 masked %gt3A_317 {strides = array<i32>} : memref<128x128xf32, #tpu.memory_space<vmem>>, vector<16xf32>, vector<16xi1>
        %mul3A_360 = arith.constant 2 : i32
        %mul3A_361 = arith.muli %mul3A_360, %scan3A_243 : i32
        %add3A_362 = arith.constant 1 : i32
        %add3A_363 = arith.addi %mul3A_361, %add3A_362 : i32
        %swap3A_364 = arith.index_cast %add3A_363 : i32 to index
        %swap3A_365 = arith.constant 96 : index
        %swap3A_366 = tpu.vector_load %arg11[%swap3A_364, %swap3A_365] masked %gt3A_317 {strides = array<i32>} : memref<128x128xf32, #tpu.memory_space<vmem>>, vector<16xf32>, vector<16xi1>
        tpu.vector_store %arg11[%swap3A_364, %swap3A_365], %get3A_123 masked %gt3A_317 {strides = array<i32>} : memref<128x128xf32, #tpu.memory_space<vmem>>, vector<16xf32>, vector<16xi1>
        %mul3A_367 = arith.constant 2 : i32
        %mul3A_368 = arith.muli %mul3A_367, %scan3A_243 : i32
        %add3A_369 = arith.constant 1 : i32
        %add3A_370 = arith.addi %mul3A_368, %add3A_369 : i32
        %swap3A_371 = arith.index_cast %add3A_370 : i32 to index
        %swap3A_372 = arith.constant 112 : index
        %swap3A_373 = tpu.vector_load %arg11[%swap3A_371, %swap3A_372] masked %gt3A_317 {strides = array<i32>} : memref<128x128xf32, #tpu.memory_space<vmem>>, vector<16xf32>, vector<16xi1>
        tpu.vector_store %arg11[%swap3A_371, %swap3A_372], %get3A_125 masked %gt3A_317 {strides = array<i32>} : memref<128x128xf32, #tpu.memory_space<vmem>>, vector<16xf32>, vector<16xi1>
      }
      %scan3A_208 = arith.constant 64 : i32
      %add3A_209 = arith.constant 384 : i32
      %add3A_210 = arith.addi %min3A_16, %add3A_209 : i32
      %dma_start3A_211 = arith.constant 0 : i32
      %dma_start3A_212 = tpu.memref_slice %arg6[%add3A_210, %dma_start3A_211] : memref<10000x128xf32, #tpu.memory_space<hbm>> -> memref<128x128xf32, #tpu.memory_space<hbm>>
      %dma_start3A_213 = arith.constant 0 : i32
      %dma_start3A_214 = tpu.memref_slice %arg6[%add3A_210, %dma_start3A_213] : memref<10000x128xf32, #tpu.memory_space<hbm>> -> memref<128x128xf32, #tpu.memory_space<hbm>>
      tpu.enqueue_dma source(%arg11 : memref<128x128xf32, #tpu.memory_space<vmem>>) target(%dma_start3A_214 : memref<128x128xf32, #tpu.memory_space<hbm>>) target_semaphore(%arg22 : memref<!tpu.dma_semaphore, #tpu.memory_space<semaphore_mem>>)
      %dma_wait3A_215 = arith.constant 0 : i32
      %dma_wait3A_216 = tpu.memref_slice %arg2[%add3A_194, %dma_wait3A_215] : memref<10000x128xf32, #tpu.memory_space<hbm>> -> memref<128x128xf32, #tpu.memory_space<hbm>>
      %dma_wait3A_217 = arith.constant 0 : i32
      %dma_wait3A_218 = tpu.memref_slice %arg2[%add3A_194, %dma_wait3A_217] : memref<10000x128xf32, #tpu.memory_space<hbm>> -> memref<128x128xf32, #tpu.memory_space<hbm>>
      tpu.wait_dma2 semaphore(%arg20 : memref<!tpu.dma_semaphore, #tpu.memory_space<semaphore_mem>>) src(%dma_wait3A_218 : memref<128x128xf32, #tpu.memory_space<hbm>>) dst(%arg12 : memref<128x128xf32, #tpu.memory_space<vmem>>)
      %scan3A_219 = arith.constant 0 : i32
      %scan3A_220 = arith.constant 0 : i32
      %scan3A_221 = arith.constant 64 : i32
      %scan3A_222 = arith.addi %scan3A_220, %scan3A_221 : i32
      %scan3A_223 = arith.constant 1 : i32
      scf.for %scan3A_243 = %scan3A_220 to %scan3A_222 step %scan3A_223  : i32 {
        %broadcast_in_dim3A_244 = arith.constant 512 : i32
        %broadcast_in_dim3A_245 = vector.broadcast %broadcast_in_dim3A_244 : i32 to vector<16xi32>
        %mul3A_246 = arith.constant 2 : i32
        %mul3A_247 = arith.muli %mul3A_246, %scan3A_243 : i32
        %add3A_248 = vector.broadcast %mul3A_247 : i32 to vector<16xi32>
        %add3A_249 = arith.addi %broadcast_in_dim3A_245, %add3A_248 : vector<16xi32>
        %gather3A = tpu.vector_load_idx %arg17[%add3A_249] : memref<640xi32, #tpu.memory_space<vmem>>[vector<16xi32>], vector<16xi32>,
        %gt3A = arith.constant 0 : i32
        %gt3A_250 = vector.broadcast %gt3A : i32 to vector<16xi32>
        %gt3A_251 = arith.cmpi sgt, %gather3A, %gt3A_250 : vector<16xi32>
        %mul3A_252 = arith.constant 2 : i32
        %mul3A_253 = arith.muli %mul3A_252, %scan3A_243 : i32
        %add3A_254 = arith.constant 0 : i32
        %add3A_255 = arith.addi %mul3A_253, %add3A_254 : i32
        %swap3A_256 = arith.index_cast %add3A_255 : i32 to index
        %swap3A_257 = arith.constant 0 : index
        %swap3A_258 = tpu.vector_load %arg12[%swap3A_256, %swap3A_257] masked %gt3A_251 {strides = array<i32>} : memref<128x128xf32, #tpu.memory_space<vmem>>, vector<16xf32>, vector<16xi1>
        tpu.vector_store %arg12[%swap3A_256, %swap3A_257], %get3A_111 masked %gt3A_251 {strides = array<i32>} : memref<128x128xf32, #tpu.memory_space<vmem>>, vector<16xf32>, vector<16xi1>
        %mul3A_259 = arith.constant 2 : i32
        %mul3A_260 = arith.muli %mul3A_259, %scan3A_243 : i32
        %add3A_261 = arith.constant 0 : i32
        %add3A_262 = arith.addi %mul3A_260, %add3A_261 : i32
        %swap3A_263 = arith.index_cast %add3A_262 : i32 to index
        %swap3A_264 = arith.constant 16 : index
        %swap3A_265 = tpu.vector_load %arg12[%swap3A_263, %swap3A_264] masked %gt3A_251 {strides = array<i32>} : memref<128x128xf32, #tpu.memory_space<vmem>>, vector<16xf32>, vector<16xi1>
        tpu.vector_store %arg12[%swap3A_263, %swap3A_264], %get3A_113 masked %gt3A_251 {strides = array<i32>} : memref<128x128xf32, #tpu.memory_space<vmem>>, vector<16xf32>, vector<16xi1>
        %mul3A_266 = arith.constant 2 : i32
        %mul3A_267 = arith.muli %mul3A_266, %scan3A_243 : i32
        %add3A_268 = arith.constant 0 : i32
        %add3A_269 = arith.addi %mul3A_267, %add3A_268 : i32
        %swap3A_270 = arith.index_cast %add3A_269 : i32 to index
        %swap3A_271 = arith.constant 32 : index
        %swap3A_272 = tpu.vector_load %arg12[%swap3A_270, %swap3A_271] masked %gt3A_251 {strides = array<i32>} : memref<128x128xf32, #tpu.memory_space<vmem>>, vector<16xf32>, vector<16xi1>
        tpu.vector_store %arg12[%swap3A_270, %swap3A_271], %get3A_115 masked %gt3A_251 {strides = array<i32>} : memref<128x128xf32, #tpu.memory_space<vmem>>, vector<16xf32>, vector<16xi1>
        %mul3A_273 = arith.constant 2 : i32
        %mul3A_274 = arith.muli %mul3A_273, %scan3A_243 : i32
        %add3A_275 = arith.constant 0 : i32
        %add3A_276 = arith.addi %mul3A_274, %add3A_275 : i32
        %swap3A_277 = arith.index_cast %add3A_276 : i32 to index
        %swap3A_278 = arith.constant 48 : index
        %swap3A_279 = tpu.vector_load %arg12[%swap3A_277, %swap3A_278] masked %gt3A_251 {strides = array<i32>} : memref<128x128xf32, #tpu.memory_space<vmem>>, vector<16xf32>, vector<16xi1>
        tpu.vector_store %arg12[%swap3A_277, %swap3A_278], %get3A_117 masked %gt3A_251 {strides = array<i32>} : memref<128x128xf32, #tpu.memory_space<vmem>>, vector<16xf32>, vector<16xi1>
        %mul3A_280 = arith.constant 2 : i32
        %mul3A_281 = arith.muli %mul3A_280, %scan3A_243 : i32
        %add3A_282 = arith.constant 0 : i32
        %add3A_283 = arith.addi %mul3A_281, %add3A_282 : i32
        %swap3A_284 = arith.index_cast %add3A_283 : i32 to index
        %swap3A_285 = arith.constant 64 : index
        %swap3A_286 = tpu.vector_load %arg12[%swap3A_284, %swap3A_285] masked %gt3A_251 {strides = array<i32>} : memref<128x128xf32, #tpu.memory_space<vmem>>, vector<16xf32>, vector<16xi1>
        tpu.vector_store %arg12[%swap3A_284, %swap3A_285], %get3A_119 masked %gt3A_251 {strides = array<i32>} : memref<128x128xf32, #tpu.memory_space<vmem>>, vector<16xf32>, vector<16xi1>
        %mul3A_287 = arith.constant 2 : i32
        %mul3A_288 = arith.muli %mul3A_287, %scan3A_243 : i32
        %add3A_289 = arith.constant 0 : i32
        %add3A_290 = arith.addi %mul3A_288, %add3A_289 : i32
        %swap3A_291 = arith.index_cast %add3A_290 : i32 to index
        %swap3A_292 = arith.constant 80 : index
        %swap3A_293 = tpu.vector_load %arg12[%swap3A_291, %swap3A_292] masked %gt3A_251 {strides = array<i32>} : memref<128x128xf32, #tpu.memory_space<vmem>>, vector<16xf32>, vector<16xi1>
        tpu.vector_store %arg12[%swap3A_291, %swap3A_292], %get3A_121 masked %gt3A_251 {strides = array<i32>} : memref<128x128xf32, #tpu.memory_space<vmem>>, vector<16xf32>, vector<16xi1>
        %mul3A_294 = arith.constant 2 : i32
        %mul3A_295 = arith.muli %mul3A_294, %scan3A_243 : i32
        %add3A_296 = arith.constant 0 : i32
        %add3A_297 = arith.addi %mul3A_295, %add3A_296 : i32
        %swap3A_298 = arith.index_cast %add3A_297 : i32 to index
        %swap3A_299 = arith.constant 96 : index
        %swap3A_300 = tpu.vector_load %arg12[%swap3A_298, %swap3A_299] masked %gt3A_251 {strides = array<i32>} : memref<128x128xf32, #tpu.memory_space<vmem>>, vector<16xf32>, vector<16xi1>
        tpu.vector_store %arg12[%swap3A_298, %swap3A_299], %get3A_123 masked %gt3A_251 {strides = array<i32>} : memref<128x128xf32, #tpu.memory_space<vmem>>, vector<16xf32>, vector<16xi1>
        %mul3A_301 = arith.constant 2 : i32
        %mul3A_302 = arith.muli %mul3A_301, %scan3A_243 : i32
        %add3A_303 = arith.constant 0 : i32
        %add3A_304 = arith.addi %mul3A_302, %add3A_303 : i32
        %swap3A_305 = arith.index_cast %add3A_304 : i32 to index
        %swap3A_306 = arith.constant 112 : index
        %swap3A_307 = tpu.vector_load %arg12[%swap3A_305, %swap3A_306] masked %gt3A_251 {strides = array<i32>} : memref<128x128xf32, #tpu.memory_space<vmem>>, vector<16xf32>, vector<16xi1>
        tpu.vector_store %arg12[%swap3A_305, %swap3A_306], %get3A_125 masked %gt3A_251 {strides = array<i32>} : memref<128x128xf32, #tpu.memory_space<vmem>>, vector<16xf32>, vector<16xi1>
        %broadcast_in_dim3A_308 = arith.constant 513 : i32
        %broadcast_in_dim3A_309 = vector.broadcast %broadcast_in_dim3A_308 : i32 to vector<16xi32>
        %mul3A_310 = arith.constant 2 : i32
        %mul3A_311 = arith.muli %mul3A_310, %scan3A_243 : i32
        %add3A_312 = vector.broadcast %mul3A_311 : i32 to vector<16xi32>
        %add3A_313 = arith.addi %broadcast_in_dim3A_309, %add3A_312 : vector<16xi32>
        %gather3A_314 = tpu.vector_load_idx %arg17[%add3A_313] : memref<640xi32, #tpu.memory_space<vmem>>[vector<16xi32>], vector<16xi32>,
        %gt3A_315 = arith.constant 0 : i32
        %gt3A_316 = vector.broadcast %gt3A_315 : i32 to vector<16xi32>
        %gt3A_317 = arith.cmpi sgt, %gather3A_314, %gt3A_316 : vector<16xi32>
        %mul3A_318 = arith.constant 2 : i32
        %mul3A_319 = arith.muli %mul3A_318, %scan3A_243 : i32
        %add3A_320 = arith.constant 1 : i32
        %add3A_321 = arith.addi %mul3A_319, %add3A_320 : i32
        %swap3A_322 = arith.index_cast %add3A_321 : i32 to index
        %swap3A_323 = arith.constant 0 : index
        %swap3A_324 = tpu.vector_load %arg12[%swap3A_322, %swap3A_323] masked %gt3A_317 {strides = array<i32>} : memref<128x128xf32, #tpu.memory_space<vmem>>, vector<16xf32>, vector<16xi1>
        tpu.vector_store %arg12[%swap3A_322, %swap3A_323], %get3A_111 masked %gt3A_317 {strides = array<i32>} : memref<128x128xf32, #tpu.memory_space<vmem>>, vector<16xf32>, vector<16xi1>
        %mul3A_325 = arith.constant 2 : i32
        %mul3A_326 = arith.muli %mul3A_325, %scan3A_243 : i32
        %add3A_327 = arith.constant 1 : i32
        %add3A_328 = arith.addi %mul3A_326, %add3A_327 : i32
        %swap3A_329 = arith.index_cast %add3A_328 : i32 to index
        %swap3A_330 = arith.constant 16 : index
        %swap3A_331 = tpu.vector_load %arg12[%swap3A_329, %swap3A_330] masked %gt3A_317 {strides = array<i32>} : memref<128x128xf32, #tpu.memory_space<vmem>>, vector<16xf32>, vector<16xi1>
        tpu.vector_store %arg12[%swap3A_329, %swap3A_330], %get3A_113 masked %gt3A_317 {strides = array<i32>} : memref<128x128xf32, #tpu.memory_space<vmem>>, vector<16xf32>, vector<16xi1>
        %mul3A_332 = arith.constant 2 : i32
        %mul3A_333 = arith.muli %mul3A_332, %scan3A_243 : i32
        %add3A_334 = arith.constant 1 : i32
        %add3A_335 = arith.addi %mul3A_333, %add3A_334 : i32
        %swap3A_336 = arith.index_cast %add3A_335 : i32 to index
        %swap3A_337 = arith.constant 32 : index
        %swap3A_338 = tpu.vector_load %arg12[%swap3A_336, %swap3A_337] masked %gt3A_317 {strides = array<i32>} : memref<128x128xf32, #tpu.memory_space<vmem>>, vector<16xf32>, vector<16xi1>
        tpu.vector_store %arg12[%swap3A_336, %swap3A_337], %get3A_115 masked %gt3A_317 {strides = array<i32>} : memref<128x128xf32, #tpu.memory_space<vmem>>, vector<16xf32>, vector<16xi1>
        %mul3A_339 = arith.constant 2 : i32
        %mul3A_340 = arith.muli %mul3A_339, %scan3A_243 : i32
        %add3A_341 = arith.constant 1 : i32
        %add3A_342 = arith.addi %mul3A_340, %add3A_341 : i32
        %swap3A_343 = arith.index_cast %add3A_342 : i32 to index
        %swap3A_344 = arith.constant 48 : index
        %swap3A_345 = tpu.vector_load %arg12[%swap3A_343, %swap3A_344] masked %gt3A_317 {strides = array<i32>} : memref<128x128xf32, #tpu.memory_space<vmem>>, vector<16xf32>, vector<16xi1>
        tpu.vector_store %arg12[%swap3A_343, %swap3A_344], %get3A_117 masked %gt3A_317 {strides = array<i32>} : memref<128x128xf32, #tpu.memory_space<vmem>>, vector<16xf32>, vector<16xi1>
        %mul3A_346 = arith.constant 2 : i32
        %mul3A_347 = arith.muli %mul3A_346, %scan3A_243 : i32
        %add3A_348 = arith.constant 1 : i32
        %add3A_349 = arith.addi %mul3A_347, %add3A_348 : i32
        %swap3A_350 = arith.index_cast %add3A_349 : i32 to index
        %swap3A_351 = arith.constant 64 : index
        %swap3A_352 = tpu.vector_load %arg12[%swap3A_350, %swap3A_351] masked %gt3A_317 {strides = array<i32>} : memref<128x128xf32, #tpu.memory_space<vmem>>, vector<16xf32>, vector<16xi1>
        tpu.vector_store %arg12[%swap3A_350, %swap3A_351], %get3A_119 masked %gt3A_317 {strides = array<i32>} : memref<128x128xf32, #tpu.memory_space<vmem>>, vector<16xf32>, vector<16xi1>
        %mul3A_353 = arith.constant 2 : i32
        %mul3A_354 = arith.muli %mul3A_353, %scan3A_243 : i32
        %add3A_355 = arith.constant 1 : i32
        %add3A_356 = arith.addi %mul3A_354, %add3A_355 : i32
        %swap3A_357 = arith.index_cast %add3A_356 : i32 to index
        %swap3A_358 = arith.constant 80 : index
        %swap3A_359 = tpu.vector_load %arg12[%swap3A_357, %swap3A_358] masked %gt3A_317 {strides = array<i32>} : memref<128x128xf32, #tpu.memory_space<vmem>>, vector<16xf32>, vector<16xi1>
        tpu.vector_store %arg12[%swap3A_357, %swap3A_358], %get3A_121 masked %gt3A_317 {strides = array<i32>} : memref<128x128xf32, #tpu.memory_space<vmem>>, vector<16xf32>, vector<16xi1>
        %mul3A_360 = arith.constant 2 : i32
        %mul3A_361 = arith.muli %mul3A_360, %scan3A_243 : i32
        %add3A_362 = arith.constant 1 : i32
        %add3A_363 = arith.addi %mul3A_361, %add3A_362 : i32
        %swap3A_364 = arith.index_cast %add3A_363 : i32 to index
        %swap3A_365 = arith.constant 96 : index
        %swap3A_366 = tpu.vector_load %arg12[%swap3A_364, %swap3A_365] masked %gt3A_317 {strides = array<i32>} : memref<128x128xf32, #tpu.memory_space<vmem>>, vector<16xf32>, vector<16xi1>
        tpu.vector_store %arg12[%swap3A_364, %swap3A_365], %get3A_123 masked %gt3A_317 {strides = array<i32>} : memref<128x128xf32, #tpu.memory_space<vmem>>, vector<16xf32>, vector<16xi1>
        %mul3A_367 = arith.constant 2 : i32
        %mul3A_368 = arith.muli %mul3A_367, %scan3A_243 : i32
        %add3A_369 = arith.constant 1 : i32
        %add3A_370 = arith.addi %mul3A_368, %add3A_369 : i32
        %swap3A_371 = arith.index_cast %add3A_370 : i32 to index
        %swap3A_372 = arith.constant 112 : index
        %swap3A_373 = tpu.vector_load %arg12[%swap3A_371, %swap3A_372] masked %gt3A_317 {strides = array<i32>} : memref<128x128xf32, #tpu.memory_space<vmem>>, vector<16xf32>, vector<16xi1>
        tpu.vector_store %arg12[%swap3A_371, %swap3A_372], %get3A_125 masked %gt3A_317 {strides = array<i32>} : memref<128x128xf32, #tpu.memory_space<vmem>>, vector<16xf32>, vector<16xi1>
      }
      %scan3A_224 = arith.constant 64 : i32
      %add3A_225 = arith.constant 512 : i32
      %add3A_226 = arith.addi %min3A_16, %add3A_225 : i32
      %dma_start3A_227 = arith.constant 0 : i32
      %dma_start3A_228 = tpu.memref_slice %arg6[%add3A_226, %dma_start3A_227] : memref<10000x128xf32, #tpu.memory_space<hbm>> -> memref<128x128xf32, #tpu.memory_space<hbm>>
      %dma_start3A_229 = arith.constant 0 : i32
      %dma_start3A_230 = tpu.memref_slice %arg6[%add3A_226, %dma_start3A_229] : memref<10000x128xf32, #tpu.memory_space<hbm>> -> memref<128x128xf32, #tpu.memory_space<hbm>>
      tpu.enqueue_dma source(%arg12 : memref<128x128xf32, #tpu.memory_space<vmem>>) target(%dma_start3A_230 : memref<128x128xf32, #tpu.memory_space<hbm>>) target_semaphore(%arg23 : memref<!tpu.dma_semaphore, #tpu.memory_space<semaphore_mem>>)
      %dma_wait3A_231 = arith.constant 0 : i32
      %dma_wait3A_232 = tpu.memref_slice %arg6[%add3A_184, %dma_wait3A_231] : memref<10000x128xf32, #tpu.memory_space<hbm>> -> memref<128x128xf32, #tpu.memory_space<hbm>>
      %dma_wait3A_233 = arith.constant 0 : i32
      %dma_wait3A_234 = tpu.memref_slice %arg6[%add3A_184, %dma_wait3A_233] : memref<10000x128xf32, #tpu.memory_space<hbm>> -> memref<128x128xf32, #tpu.memory_space<hbm>>
      tpu.wait_dma2 semaphore(%arg24 : memref<!tpu.dma_semaphore, #tpu.memory_space<semaphore_mem>>) src(%arg13 : memref<128x128xf32, #tpu.memory_space<vmem>>) dst(%dma_wait3A_234 : memref<128x128xf32, #tpu.memory_space<hbm>>)
      %dma_wait3A_235 = arith.constant 0 : i32
      %dma_wait3A_236 = tpu.memref_slice %arg6[%add3A_210, %dma_wait3A_235] : memref<10000x128xf32, #tpu.memory_space<hbm>> -> memref<128x128xf32, #tpu.memory_space<hbm>>
      %dma_wait3A_237 = arith.constant 0 : i32
      %dma_wait3A_238 = tpu.memref_slice %arg6[%add3A_210, %dma_wait3A_237] : memref<10000x128xf32, #tpu.memory_space<hbm>> -> memref<128x128xf32, #tpu.memory_space<hbm>>
      tpu.wait_dma2 semaphore(%arg22 : memref<!tpu.dma_semaphore, #tpu.memory_space<semaphore_mem>>) src(%arg11 : memref<128x128xf32, #tpu.memory_space<vmem>>) dst(%dma_wait3A_238 : memref<128x128xf32, #tpu.memory_space<hbm>>)
      %dma_wait3A_239 = arith.constant 0 : i32
      %dma_wait3A_240 = tpu.memref_slice %arg6[%add3A_226, %dma_wait3A_239] : memref<10000x128xf32, #tpu.memory_space<hbm>> -> memref<128x128xf32, #tpu.memory_space<hbm>>
      %dma_wait3A_241 = arith.constant 0 : i32
      %dma_wait3A_242 = tpu.memref_slice %arg6[%add3A_226, %dma_wait3A_241] : memref<10000x128xf32, #tpu.memory_space<hbm>> -> memref<128x128xf32, #tpu.memory_space<hbm>>
      tpu.wait_dma2 semaphore(%arg23 : memref<!tpu.dma_semaphore, #tpu.memory_space<semaphore_mem>>) src(%arg12 : memref<128x128xf32, #tpu.memory_space<vmem>>) dst(%dma_wait3A_242 : memref<128x128xf32, #tpu.memory_space<hbm>>)
    } else {
    }
    return
  }
}

module attributes {stable_mosaic.version = 14 : i64} {
  func.func @_token_body(%arg0: i32, %arg1: memref<5000x128xf32, #tpu.memory_space<vmem>>, %arg2: memref<1x128xf32, #tpu.memory_space<vmem>>, %arg3: memref<1x128xf32, #tpu.memory_space<vmem>>) attributes {dimension_semantics = [#tpu.dimension_semantics<arbitrary>], iteration_bounds = array<i64: 2>, scalar_prefetch = 0 : i64, scratch_operands = 1 : i64, tpu.core_type = #tpu.core_type<tc>, window_params = [{transform_indices = @transform_0, window_bounds = array<i64: 5000, 128>}, {pipeline_mode = #tpu.pipeline_mode<synchronous>, transform_indices = @transform_1, window_bounds = array<i64: 1, 128>}]} {
    %eq3A = arith.constant 0 : i32
    %eq3A_0 = arith.cmpi eq, %arg0, %eq3A : i32
    %convert_element_type3A = arith.extui %eq3A_0 : i1 to i32
    %cond3A = arith.constant 0 : i32
    %cond3A_1 = arith.cmpi ne, %convert_element_type3A, %cond3A : i32
    scf.if %cond3A_1 {
      %broadcast_in_dim3A_15 = arith.constant 0.000000e+00 : f32
      %broadcast_in_dim3A_16 = vector.broadcast %broadcast_in_dim3A_15 : f32 to vector<1x128xf32>
      %swap3A_17 = arith.constant 0 : index
      %swap3A_18 = arith.constant 0 : index
      %swap3A_19 = vector.load %arg3[%swap3A_17, %swap3A_18] : memref<1x128xf32, #tpu.memory_space<vmem>>, vector<1x128xf32>
      tpu.vector_store %arg3[%swap3A_17, %swap3A_18], %broadcast_in_dim3A_16 {strides = array<i32>} : memref<1x128xf32, #tpu.memory_space<vmem>>, vector<1x128xf32>,
    } else {
    }
    %get3A = arith.constant 0 : index
    %get3A_2 = arith.constant 0 : index
    %get3A_3 = vector.load %arg3[%get3A, %get3A_2] : memref<1x128xf32, #tpu.memory_space<vmem>>, vector<1x128xf32>
    %get3A_4 = arith.constant 0 : index
    %get3A_5 = arith.constant 0 : index
    %get3A_6 = vector.load %arg1[%get3A_4, %get3A_5] : memref<5000x128xf32, #tpu.memory_space<vmem>>, vector<5000x128xf32>
    %reduce_sum3A = arith.constant dense<0.000000e+00> : vector<128xf32>
    %reduce_sum3A_7 = vector.multi_reduction <add>, %get3A_6, %reduce_sum3A [0] : vector<5000x128xf32> to vector<128xf32>
    %broadcast_in_dim3A = vector.shape_cast %reduce_sum3A_7 : vector<128xf32> to vector<1x128xf32>
    %add3A = arith.addf %get3A_3, %broadcast_in_dim3A : vector<1x128xf32>
    %swap3A = arith.constant 0 : index
    %swap3A_8 = arith.constant 0 : index
    %swap3A_9 = vector.load %arg3[%swap3A, %swap3A_8] : memref<1x128xf32, #tpu.memory_space<vmem>>, vector<1x128xf32>
    tpu.vector_store %arg3[%swap3A, %swap3A_8], %add3A {strides = array<i32>} : memref<1x128xf32, #tpu.memory_space<vmem>>, vector<1x128xf32>,
    %eq3A_10 = arith.constant 1 : i32
    %eq3A_11 = arith.cmpi eq, %arg0, %eq3A_10 : i32
    %convert_element_type3A_12 = arith.extui %eq3A_11 : i1 to i32
    %cond3A_13 = arith.constant 0 : i32
    %cond3A_14 = arith.cmpi ne, %convert_element_type3A_12, %cond3A_13 : i32
    scf.if %cond3A_14 {
      %get3A_15 = arith.constant 0 : index
      %get3A_16 = arith.constant 0 : index
      %get3A_17 = vector.load %arg3[%get3A_15, %get3A_16] : memref<1x128xf32, #tpu.memory_space<vmem>>, vector<1x128xf32>
      %mul3A = arith.constant 9.99999974E-5 : f32
      %mul3A_18 = vector.broadcast %mul3A : f32 to vector<1x128xf32>
      %mul3A_19 = arith.mulf %get3A_17, %mul3A_18 : vector<1x128xf32>
      %swap3A_20 = arith.constant 0 : index
      %swap3A_21 = arith.constant 0 : index
      %swap3A_22 = vector.load %arg2[%swap3A_20, %swap3A_21] : memref<1x128xf32, #tpu.memory_space<vmem>>, vector<1x128xf32>
      tpu.vector_store %arg2[%swap3A_20, %swap3A_21], %mul3A_19 {strides = array<i32>} : memref<1x128xf32, #tpu.memory_space<vmem>>, vector<1x128xf32>,
    } else {
    }
    return
  }
  func.func @transform_0(%arg0: i32) -> (i32, i32) {
    %c0_i32 = arith.constant 0 : i32
    %c0_i32_0 = arith.constant 0 : i32
    return %arg0, %c0_i32 : i32, i32
  }
  func.func @transform_1(%arg0: i32) -> (i32, i32) {
    %c0_i32 = arith.constant 0 : i32
    %c0_i32_0 = arith.constant 0 : i32
    %c0_i32_1 = arith.constant 0 : i32
    return %c0_i32, %c0_i32_0 : i32, i32
  }
}

</mosaic_0001>

<sc_bundles>
// kernel: kernel.4.cloned.1.call-start
scs
__scs_entry_jumppad:
0x0: {  	(pc) =	sbr.rel $0x88, $3  }
0x1: {  	(tag) =	ssettag $0x0;
	lr =	simm.s32 $0x1  }
0x2: {  	[smem:$0x3F9E] =	sst lr;
	_ =	strace $0xD0000000  }
0x3: {  	_ = 	snop  }
0x4: {  	_ = 	snop  }
0x5: {  	_ = 	snop  }
0x6: {  	_ = 	snop  }
0x7: {  	_ = 	snop  }
__scs_overlays_trampoline_lowered:
0x8: {  	[smem:$0x3FAD] =	sst s0  }
0x9: {  	[smem:$0x3FAE] =	sst s1  }
0xa: {  	[smem:$0x3FAF] =	sst s2  }
0xb: {  	[smem:$0x3FB0] =	sst s3  }
0xc: {  	[smem:$0x3FB1] =	sst s4  }
0xd: {  	[smem:$0x3FB2] =	sst s5  }
0xe: {  	[smem:$0x3FB3] =	sst s6  }
0xf: {  	[smem:$0x3FB4] =	sst s7  }
0x10: {  	[smem:$0x3FB5] =	sst s8  }
0x11: {  	[smem:$0x3FB6] =	sst s9;
	s0 =	simm.s32 @!p0 $0x0  }
0x12: {  	s1 =	sld [smem:$0x3F9C];
	s0 =	simm.s32 @p0 $0x1  }
0x13: {  	[smem:$0x3FB7] =	sst s0;
	s0 =	simm.s32 @!p1 $0x0  }
0x14: {  	s2 =	sld [smem:$0x3F9B];
	s0 =	simm.s32 @p1 $0x1  }
0x15: {  	[smem:$0x3FB8] =	sst s0;
	s0 =	simm.s32 @!p2 $0x0  }
0x16: {  	s3 =	sld [smem:$0x3FDB];
	s0 =	simm.s32 @p2 $0x1  }
0x17: {  	s4 =	simm.s32 $0x1BF5;
	[smem:$0x3FBA] =	sst s0  }
0x18: {  	s0 =	sld [smem:$0x3F9D];
	_ =	swait.ge [sflag:s4], $0x0  }
0x19: {  	s7 =	sld [smem:$0x3F9E]  }
0x1a: {  	s8 =	sadd.s32 $0xFFFFE003, lr  }
0x1b: {  	s9 =	sadd.s32 $0xFFFFFEF7, lr;
	s5 =	simm.s32 $0xFFFFFFFF;
	p2 =	slt.u32 s8, $0xFFFFF086  }
0x1c: {  	p1 =	slt.u32 s9, $0xF7A;
	s5 =	simm.s32 @!p2 $0x0  }
0x1d: {  	s5 =	simm.s32 @p1 $0x1;
	p0 =	seq.s32 s7, s2  }
0x1e: {  	s7 =	smul.u32 @!p0 $0xF7A, s2;
	p2 =	seq.s32 @!p0 s5, $0x0  }
0x1f: {  	s9 =	smul.u32 $0xF7A, s1;
	s8 =	simm.s32 @!p0 $0x1BF5;
	p2 =	por !p2, p0  }
0x20: {  	[sflag:s8] =	ssyncset.s32 @!p0 $0xFFFFF086;
	s6 =	sadd.s32 @!p0 s3, s7;
	s7 =	simm.s32 @!p0 $0x108  }
0x21: {  	s3 =	sadd.s32 s3, s9;
	s6 =	sadd.s32 @!p0 $0x88, s6;
	s7 =	simm.s32 @p2 $0x1082  }
0x22: {  	[simem:s7], [sflag:s8] =	dma.local @!p0 [hbm:s6], $0xF7A  }
0x23: {  	s9 =	sor.u32 $0xD0000000, s2;
	s6 =	simm.s32 $0x108;
	_ =	swait.ge @!p0 [sflag:s8], $0x0  }
0x24: {  	s3 =	sadd.s32 $0x88, s3;
	s6 =	simm.s32 @!p1 $0x1082;
	[sflag:s4] =	ssyncset.s32 $0xFFFFF086  }
0x25: {  	[simem:s6], [sflag:s4] =	dma.local [hbm:s3], $0xF7A  }
0x26: {  	[smem:$0x3F9E] =	sst s1;
	(tag) =	ssettag s2;
	_ =	strace s9  }
0x27: {  	s1 =	sld [smem:$0x3FAE]  }
0x28: {  	s2 =	sld [smem:$0x3FAF]  }
0x29: {  	s4 =	sld [smem:$0x3FB1]  }
0x2a: {  	p0 =	seq.s32 s5, $0x0;
	s5 =	sld [smem:$0x3FB2]  }
0x2b: {  	s6 =	sld [smem:$0x3FB3]  }
0x2c: {  	s7 =	sld [smem:$0x3FB4]  }
0x2d: {  	s3 =	simm.s32 $0x108;
	s8 =	sld [smem:$0x3FB5]  }
0x2e: {  	s3 =	simm.s32 @!p0 $0x1082;
	s9 =	sld [smem:$0x3FB6]  }
0x2f: {  	lr =	sadd.s32 s0, s3;
	s0 =	sld [smem:$0x3FAD]  }
0x30: {  	s3 =	sld [smem:$0x3FB0]  }
0x31: {  	[smem:$0x3FB9] =	sst s10  }
0x32: {  	s10 =	sld [smem:$0x3FB7];
	_ =	sdelay $0x3  }
0x33: {  	p0 =	seq.s32 s10, $0x1;
	s10 =	sld [smem:$0x3FB9];
	_ =	sdelay $0x3  }
0x34: {  	[smem:$0x3FB9] =	sst s10  }
0x35: {  	s10 =	sld [smem:$0x3FB8];
	_ =	sdelay $0x3  }
0x36: {  	p1 =	seq.s32 s10, $0x1;
	s10 =	sld [smem:$0x3FB9];
	_ =	sdelay $0x3  }
0x37: {  	[smem:$0x3FB9] =	sst s10  }
0x38: {  	s10 =	sld [smem:$0x3FBA]  }
0x39: {  	_ = 	snop;
	(pc) =	sbr.ind lr, $3  }
0x3a: {  	_ = 	snop  }
0x3b: {  	_ = 	snop  }
0x3c: {  	p2 =	seq.s32 s10, $0x1;
	s10 =	sld [smem:$0x3FB9]  }
0x3d: {  	_ =	shalt  }
0x3e: {  	_ =	shalt  }
0x3f: {  	_ =	shalt  }
0x40: {  	_ =	shalt  }
0x41: {  	_ =	shalt  }
0x42: {  	_ =	shalt  }
0x43: {  	_ =	shalt  }
0x44: {  	_ =	shalt  }
0x45: {  	_ =	shalt  }
0x46: {  	_ =	shalt  }
0x47: {  	_ =	shalt  }
0x48: {  	_ =	shalt  }
0x49: {  	_ =	shalt  }
0x4a: {  	_ =	shalt  }
0x4b: {  	_ =	shalt  }
0x4c: {  	_ =	shalt  }
0x4d: {  	_ =	shalt  }
0x4e: {  	_ =	shalt  }
0x4f: {  	_ =	shalt  }
0x50: {  	_ =	shalt  }
0x51: {  	_ =	shalt  }
0x52: {  	_ =	shalt  }
0x53: {  	_ =	shalt  }
0x54: {  	_ =	shalt  }
0x55: {  	_ =	shalt  }
0x56: {  	_ =	shalt  }
0x57: {  	_ =	shalt  }
0x58: {  	_ =	shalt  }
0x59: {  	_ =	shalt  }
0x5a: {  	_ =	shalt  }
0x5b: {  	_ =	shalt  }
0x5c: {  	_ =	shalt  }
0x5d: {  	_ =	shalt  }
0x5e: {  	_ =	shalt  }
0x5f: {  	_ =	shalt  }
0x60: {  	_ =	shalt  }
0x61: {  	_ =	shalt  }
0x62: {  	_ =	shalt  }
0x63: {  	_ =	shalt  }
0x64: {  	_ =	shalt  }
0x65: {  	_ =	shalt  }
0x66: {  	_ =	shalt  }
0x67: {  	_ =	shalt  }
0x68: {  	_ =	shalt  }
0x69: {  	_ =	shalt  }
0x6a: {  	_ =	shalt  }
0x6b: {  	_ =	shalt  }
0x6c: {  	_ =	shalt  }
0x6d: {  	_ =	shalt  }
0x6e: {  	_ =	shalt  }
0x6f: {  	_ =	shalt  }
0x70: {  	_ =	shalt  }
0x71: {  	_ =	shalt  }
0x72: {  	_ =	shalt  }
0x73: {  	_ =	shalt  }
0x74: {  	_ =	shalt  }
0x75: {  	_ =	shalt  }
0x76: {  	_ =	shalt  }
0x77: {  	_ =	shalt  }
0x78: {  	_ =	shalt  }
0x79: {  	_ =	shalt  }
0x7a: {  	_ =	shalt  }
0x7b: {  	_ =	shalt  }
0x7c: {  	_ =	shalt  }
0x7d: {  	_ =	shalt  }
0x7e: {  	_ =	shalt  }
0x7f: {  	_ =	shalt  }
0x80: {  	_ =	shalt  }
0x81: {  	_ =	shalt  }
0x82: {  	_ =	shalt  }
0x83: {  	_ =	shalt  }
0x84: {  	_ =	shalt  }
0x85: {  	_ =	shalt  }
0x86: {  	_ =	shalt  }
0x87: {  	_ =	shalt  }
.Lfunc_end0:
.L_simem_size_0:
called_computation_lowered:
.L_overlay_start_0:
0x88: {  	s2 =	sld [smem:$0x3FD9]  }
0x89: {  	s3 =	sld [smem:$0x3FFE];
	_ =	sdelay $0x1  }
0x8a: {  	s1 =	srdreg.scid  }
0x8b: {  	s0 =	sand.u32 $0x1, s1  }
0x8c: {  	s14 =	sshll.u32 s0, $0xA;
	s2 =	sadd.s32 s3, s2  }
0x8d: {  	s2 =	sadd.s32 s2, s14  }
0x8e: {  	[smem:$0x3FC5] =	sst s2  }
0x8f: {  	_ = 	snop  }
0x90: {  	s2 =	sld [smem:$0x3FD0]  }
0x91: {  	s15 =	sld [smem:$0x3FC9]  }
0x92: {  	s4 =	sld [smem:$0x3FC8]  }
0x93: {  	s6 =	simm.s32 $0xA;
	s7 =	simm.s32 $0x10;
	s5 =	sld [smem:$0x3FC7]  }
0x94: {  	[smem:s7], [sflag:s6] =	dma.local [hbm:s2], $0x1  }
0x95: {  	_ =	swait.eq [sflag:s6], $0x1  }
0x96: {  	[sflag:s6] =	ssyncset.done $0x0  }
0x97: {  	s16 =	sld [smem:$0x10];
	[sflag:s6] =	ssyncadd.s32 $0xFFFFFFFF  }
0x98: {  	s17 =	sld [smem:$0x11];
	(tm) =	ssettm $0x1  }
0x99: {  	s18 =	sld [smem:$0x3FFB];
	_ =	sdelay $0x3  }
0x9a: {  	_ =	strace s18  }
0x9b: {  	s7 =	sld [smem:$0x3FFC];
	_ =	sdelay $0x3  }
0x9c: {  	_ =	strace s7  }
0x9d: {  	s7 =	sld [smem:$0x3FFD];
	_ =	sdelay $0x3  }
0x9e: {  	_ =	strace s7  }
0x9f: {  	_ =	strace $0x8FFFFFFF  }
0xa0: {  	s19 =	sld [smem:$0x3FDB];
	_ =	sdelay $0x1  }
0xa1: {  	s8 =	simm.s32 $_scs_section_size  }
0xa2: {  	s9 =	simm.s32 $_size__tile_overlayer_lowered;
	s10 =	simm.s32 $_tile_overlayer_lowered  }
0xa3: {  	s22 =	simm.s32 $0x1BFF;
	s21 =	sshll.u32 s10, $0x1;
	s7 =	sadd.s32 s8, s19  }
0xa4: {  	s11 =	simm.s32 $0x0;
	s20 =	sshll.u32 s9, $0x1;
	s9 =	sadd.s32 s21, s7  }
0xa5: {  	[timem:s11], [sflag:s22] =	dma.local [hbm:s9], s20  }
0xa6: {  	_ =	swait.ge [sflag:s22], s20  }
0xa7: {  	s8 =	ssub.s32 $0x0, s20;
	[sflag:s22] =	ssyncset.done $0x0  }
0xa8: {  	[sflag:s22] =	ssyncadd.s32 s8;
	_ =	sdelay $0x1  }
0xa9: {  	s23 =	simm.s32 $0x1B8B  }
0xaa: {  	_ =	swait.ge [sflag:s23], $0x1  }
0xab: {  	[sflag:s23] =	ssyncset.done $0x0  }
0xac: {  	s25 =	simm.s32 $0x1B8E;
	s24 =	sld [smem:$0x3FFE];
	[sflag:s23] =	ssyncadd.s32 $0xFFFFFFFF  }
0xad: {  	s26 =	simm.s32 $execute0_lowered;
	[smem:$0x3FD2] =	sst s25  }
0xae: {  	s9 =	sshll.u32 s26, $0x1;
	_ =	strace $0x80000046;
	[dreg:$0x1] =	wrdreg $0xFFFFFFFF  }
0xaf: {  	s28 =	simm.s32 $_size_execute0_lowered;
	s7 =	sadd.s32 s7, s9;
	[dreg:$0x0] =	wrdreg $0x0  }
0xb0: {  	s9 =	sshll.u32 s28, $0x1;
	[dreg:$0x2] =	wrdreg s7  }
0xb1: {  	[dreg:$0x3] =	wrdreg s9  }
0xb2: {  	[dreg:$0x4] =	wrdreg $0xC0  }
0xb3: {  	_ =	task [dreg:s11], $0x5FFFF  }
0xb4: {  	[dreg:$0x1] =	wrdreg $0xFFFFFFFF  }
0xb5: {  	[dreg:$0x0] =	wrdreg $0x60  }
0xb6: {  	[dreg:$0x2] =	wrdreg s15  }
0xb7: {  	[dreg:$0x3] =	wrdreg s4  }
0xb8: {  	[dreg:$0x4] =	wrdreg s5  }
0xb9: {  	[dreg:$0x5] =	wrdreg s24  }
0xba: {  	[dreg:$0x6] =	wrdreg s16  }
0xbb: {  	[dreg:$0x7] =	wrdreg s17  }
0xbc: {  	[dreg:$0x8] =	wrdreg $0x14B000  }
0xbd: {  	[dreg:$0x9] =	wrdreg $0x9  }
0xbe: {  	_ =	task.clear_ibuf [dreg:s11], $0xAFFFF;
	_ =	strace $0x90000046  }
0xbf: {  	s29 =	simm.s32 $0x9;
	_ =	strace $0x80000048  }
0xc0: {  	_ =	swait.ge [sflag:s29], $0x1  }
0xc1: {  	[sflag:s29] =	ssyncadd.s32 $0xFFFFFFFF  }
0xc2: {  	_ =	strace $0x90000048  }
0xc3: {  	_ =	sfence  }
0xc4: {  	s30 =	sld [smem:$0x0];
	_ =	sdelay $0x2  }
0xc5: {  	s31 =	sshll.u32 s1, $0xD;
	s1 =	sshrl.u32 s1, $0x2  }
0xc6: {  	s3 =	sand.u32 $0x4000, s31;
	s1 =	sadd.s32 s1, s30  }
0xc7: {  	s0 =	sor.u32 s3, s0;
	s1 =	sshll.u32 s1, $0x11  }
0xc8: {  	s0 =	sor.u32 s1, s0  }
0xc9: {  	s0 =	sadd.s32 $0x8F2B, s0  }
0xca: {  	[sflag:s0] =	ssyncadd.remote.s32 $0x1  }
0xcb: {  	_ =	sfence.sel $0xFFFF  }
0xcc: {  	[dreg:$0x0] =	wrdreg $0xFFFFFFFF;
	(pc) =	sbr.abs _section_cstart, $3  }
0xcd: {  	[dreg:$0x1] =	wrdreg $0xFFFFFFFF  }
0xce: {  	_ =	task.clear_ibuf [dreg:s11], $0x2FFFF;
	_ =	strace $0x9FFFFFFF  }
0xcf: {  	(tm) =	ssettm $0x7FFFFFFF  }
tec
execute0_lowered:
.L_overlay_start_1:
0x0: {  	(tag) =	ssettag $0x1  }
0x1: {  	s0 =	rddreg [dreg:$0x0]  }
0x2: {  	s1 =	rddreg [dreg:$0x1]  }
0x3: {  	s2 =	rddreg [dreg:$0x3]  }
0x4: {  	s3 =	rddreg [dreg:$0x4]  }
0x5: {  	s4 =	rddreg [dreg:$0x5]  }
0x6: {  	s23 =	stileid.u32;
	s5 =	rddreg [dreg:$0x6];
	s8 =	simm.s32 $0x0  }
0x7: {  	s7 =	srdreg.scid;
	s29 =	simm.s32 $0x7E80;
	s30 =	simm.s32 $0xBE80  }
0x8: {  	s28 =	simm.s32 $0x5;
	s31 =	simm.s32 $0x6;
	s6 =	smul.u32 $0x280, s23  }
0x9: {  	[smem:$0x7FF] =	sst s8;
	s21 =	sand.u32 $0x1, s7;
	s2 =	sadd.s32 $0xA00, s2  }
0xa: {  	s15 =	sshrl.u32 s23, $0x3;
	s25 =	sshll.u32 s23, $0x7;
	s26 =	smul.u32 $0x3000, s23  }
0xb: {  	s16 =	smul.u32 $0x9C4, s23;
	p1 =	sgt.u32 s23, $0xC;
	_ =	strace $0x80000047  }
0xc: {  	s7 =	ssub.s32 $0x2, s21;
	[dreg:$0x8] =	wrdreg s2;
	s24 =	smul.u32 $0x30000, s15  }
0xd: {  	p0 =	sne.s32 s21, $0x0;
	s21 =	simm.s32 $0x7;
	p2 =	sne.s32 @p1 s23, $0xD  }
0xe: {  	s6 =	smin.u32 s6, $0x2490;
	s18 =	sshrl.u32 s7, $0x1;
	s17 =	sshrl.u32 s26, $0x2  }
0xf: {  	s15 =	sadd.s32 s1, s16;
	p2 =	por p2, !p1;
	s1 =	simm.s32 $0x1  }
0x10: {  	s26 =	simm.s32 $0x3;
	s12 =	sshll.u32 s6, $0x4;
	s2 =	ssub.s32 s7, s18  }
0x11: {  	s17 =	sadd.s32 s17, s5;
	s18 =	sadd.s32 $0x270, s4;
	s9 =	sadd.s32 $0x800, s12  }
0x12: {  	s19 =	sadd.s32 s0, s12;
	s22 =	sadd.s32 s3, s12;
	s11 =	sadd.s32 $0x1000, s12  }
0x13: {  	s13 =	sadd.s32 $0x1800, s12;
	s14 =	sadd.s32 $0x2000, s12;
	[dreg:$0x9] =	wrdreg s19  }
0x14: {  	s20 =	sadd.s32 s0, s9;
	[dreg:$0xb] =	wrdreg s22;
	s8 =	sadd.s32 s0, s11  }
0x15: {  	s9 =	sadd.s32 s3, s9;
	s10 =	sadd.s32 s0, s13;
	s11 =	sadd.s32 s3, s11  }
0x16: {  	s12 =	sadd.s32 s0, s14;
	s13 =	sadd.s32 s3, s13;
	s14 =	sadd.s32 s3, s14  }
.Ltmp0:
0x17: {  	s3 =	sand.u32 $0x380, s25;
	s0 =	sshrl.u32 s24, $0x2;
	(pc) =	sbr.rel .LBB2_1-.Ltmp0, $4  }
0x18: {  	s19 =	smul.u32 $0x30, s23;
	s22 =	simm.s32 $0x4E80;
	s23 =	simm.s32 $0xFE80  }
0x19: {  	s24 =	simm.s32 $0x2;
	s25 =	simm.s32 $0x4;
	[dreg:$0xa] =	wrdreg s20  }
0x1a: {  	s0 =	sadd.s32 s0, s5;
	s20 =	smax.u32 s2, $0x1;
	s2 =	simm.s32 $0x0  }
0x1b: {  	v1 =	vimm.s32 $0x0;
	v2 =	vimm.s32 $0x1;
	v0 =	vmov s6;
	s16 =	sadd.s32 s3, s0;
	s19 =	sadd.s32 s4, s19;
	s0 =	simm.s32 $0x14880  }
.LBB2_21:
0x1c: {  	_ =	sdelay $0x2  }
0x1d: {  	[tilespmem:s3+$0xBF70] =	vst.msk vm0, v10  }
0x1e: {  	v12 =	vld.idx.msk [tilespmem:v12+s0+$0x0], $0xffff;
	_ =	sdelay $0x4  }
0x1f: {  	s6 =	sshra.s32 s5, $0x2;
	vm14 =	vgt.s32 v12, $0x0  }
0x20: {  	[tilespmem:s6+$0xBE80] =	vst.msk vm14, v3  }
0x21: {  	[tilespmem:s6+$0xBE90] =	vst.msk vm14, v4  }
0x22: {  	[tilespmem:s6+$0xBEA0] =	vst.msk vm14, v5  }
0x23: {  	v11 =	vor.u32 $0x201, v11;
	[tilespmem:s6+$0xBEB0] =	vst.msk vm14, v6  }
0x24: {  	[tilespmem:s6+$0xBEC0] =	vst.msk vm14, v7  }
0x25: {  	[tilespmem:s6+$0xBED0] =	vst.msk vm14, v8  }
0x26: {  	[tilespmem:s6+$0xBEE0] =	vst.msk vm14, v9  }
0x27: {  	[tilespmem:s6+$0xBEF0] =	vst.msk vm14, v10  }
0x28: {  	v11 =	vld.idx.msk [tilespmem:v11+s0+$0x0], $0xffff;
	_ =	sdelay $0x4  }
0x29: {  	vm15 =	vgt.s32 v11, $0x0  }
0x2a: {  	[tilespmem:s6+$0xBF00] =	vst.msk vm15, v3  }
0x2b: {  	[tilespmem:s6+$0xBF10] =	vst.msk vm15, v4  }
0x2c: {  	[tilespmem:s6+$0xBF20] =	vst.msk vm15, v5  }
0x2d: {  	[tilespmem:s6+$0xBF30] =	vst.msk vm15, v6  }
0x2e: {  	[tilespmem:s6+$0xBF40] =	vst.msk vm15, v7  }
0x2f: {  	[tilespmem:s6+$0xBF50] =	vst.msk vm15, v8  }
0x30: {  	[tilespmem:s6+$0xBF60] =	vst.msk vm15, v9  }
0x31: {  	s7 =	simm.s32 $0x0;
	[tilespmem:s6+$0xBF70] =	vst.msk vm15, v10  }
0x32: {  	[hbm4b:s14+s7] =	stream.linear.scatter [tilespmem:s30], [sflag:$0x5], $0x4000, $0x38;
	[tilespmem:$0x16300] =	vst v63  }
0x33: {  	_ =	swait.ge [sflag:s31], $0x4000  }
0x34: {  	[sflag:s31] =	ssyncset.done $0x0  }
0x35: {  	[sflag:s31] =	ssyncadd.s32 $0xFFFFC000  }
0x36: {  	_ =	swait.ge [sflag:s25], $0x4000  }
0x37: {  	[sflag:s25] =	ssyncset.done $0x0  }
0x38: {  	[sflag:s25] =	ssyncadd.s32 $0xFFFFC000  }
0x39: {  	_ =	swait.ge [sflag:s28], $0x4000  }
0x3a: {  	[sflag:s28] =	ssyncset.done $0x0  }
0x3b: {  	[sflag:s28] =	ssyncadd.s32 $0xFFFFC000  }
.LBB2_22:
0x3c: {  	s2 =	sadd.s32 $0x1, s2  }
0x3d: {  	p3 =	sne.s32 s2, s20  }
.Ltmp1:
0x3e: {  	_ = 	snop;
	(pc) =	sbr.rel @!p3 .LBB2_23-.Ltmp1, $1  }
0x3f: {  	_ =	sdelay $0x3  }
.LBB2_1:
.Ltmp2:
0x40: {  	(pc) =	sbr.rel @p0 .LBB2_9-.Ltmp2, $1  }
0x41: {  	_ =	sdelay $0x3  }
0x42: {  	s3 =	simm.s32 $0x0  }
0x43: {  	[tilespmem:s3], [sflag:$0x7] =	stream.linear.gather [hbm4b:s15+s3], $0x4E20, $0x38;
	[tilespmem:$0x16300] =	vst v63  }
0x44: {  	_ =	swait.ge [sflag:s21], $0x4E20  }
0x45: {  	[sflag:s21] =	ssyncset.done $0x0  }
0x46: {  	s4 =	simm.s32 $0x0;
	[sflag:s21] =	ssyncadd.s32 $0xFFFFB1E0  }
.LBB2_3:
0x47: {  	p3 =	sne.s32 s4, $0x5FC0  }
.Ltmp3:
0x48: {  	_ = 	snop;
	(pc) =	sbr.rel @p3 .LBB2_3-.Ltmp3, $3  }
0x49: {  	_ =	sdelay $0x1  }
0x4a: {  	s5 =	sshra.s32 s4, $0x2  }
0x4b: {  	s4 =	sadd.s32 $0x40, s4;
	[tilespmem:s5+$0x4E80] =	vst v1  }
0x4c: {  	s4 =	simm.s32 $0x50  }
.LBB2_5:
0x4d: {  	v3 =	vld [tilespmem:s4+$0xFFFFFFB0];
	_ =	sdelay $0x7  }
0x4e: {  	[tilespmem:v3+s22+$0x0] =	vst.idx.msk $0xffff, v2  }
0x4f: {  	v3 =	vld [tilespmem:s4+$0xFFFFFFC0];
	_ =	sdelay $0x7  }
0x50: {  	[tilespmem:v3+s22+$0x0] =	vst.idx.msk $0xffff, v2  }
0x51: {  	v3 =	vld [tilespmem:s4+$0xFFFFFFD0];
	_ =	sdelay $0x7  }
0x52: {  	[tilespmem:v3+s22+$0x0] =	vst.idx.msk $0xffff, v2  }
0x53: {  	v3 =	vld [tilespmem:s4+$0xFFFFFFE0];
	_ =	sdelay $0x7  }
0x54: {  	[tilespmem:v3+s22+$0x0] =	vst.idx.msk $0xffff, v2  }
0x55: {  	v3 =	vld [tilespmem:s4+$0xFFFFFFF0];
	_ =	sdelay $0x7  }
0x56: {  	[tilespmem:v3+s22+$0x0] =	vst.idx.msk $0xffff, v2  }
0x57: {  	v3 =	vld [tilespmem:s4+$0x0];
	_ =	sdelay $0x7  }
0x58: {  	[tilespmem:v3+s22+$0x0] =	vst.idx.msk $0xffff, v2  }
0x59: {  	v3 =	vld [tilespmem:s4+$0x10];
	_ =	sdelay $0x7  }
0x5a: {  	[tilespmem:v3+s22+$0x0] =	vst.idx.msk $0xffff, v2  }
0x5b: {  	v3 =	vld [tilespmem:s4+$0x20];
	_ =	sdelay $0x7  }
0x5c: {  	s5 =	sand.u32 $0x7FE0, s3;
	[tilespmem:v3+s22+$0x0] =	vst.idx.msk $0xffff, v2  }
0x5d: {  	v3 =	vld [tilespmem:s5+$0x80];
	_ =	sdelay $0x7  }
0x5e: {  	[tilespmem:v3+s22+$0x0] =	vst.idx.msk $0xffff, v2  }
0x5f: {  	v3 =	vld [tilespmem:s4+$0x40];
	_ =	sdelay $0x2  }
0x60: {  	p3 =	sne.s32 s3, $0x4D80  }
.Ltmp4:
0x61: {  	_ = 	snop;
	(pc) =	sbr.rel @p3 .LBB2_5-.Ltmp4, $2  }
0x62: {  	_ =	sdelay $0x2  }
0x63: {  	s3 =	sadd.s32 $0xA0, s3;
	s4 =	sadd.s32 $0xA0, s4;
	[tilespmem:v3+s22+$0x0] =	vst.idx.msk $0xffff, v2  }
0x64: {  	s3 =	simm.s32 $0x80;
	s4 =	simm.s32 $0x400  }
0x65: {  	[spmem:s16] =	stream.strided.scatter [tilespmem:s22], [sflag:$0x7], $0x1800, s4, s3, $0x38;
	[tilespmem:$0x16300] =	vst v63  }
0x66: {  	_ =	swait.ge [sflag:s21], $0x1800  }
0x67: {  	[sflag:s21] =	ssyncset.done $0x0  }
0x68: {  	s6 =	simm.s32 $0xC00;
	[sflag:s21] =	ssyncadd.s32 $0xFFFFE800  }
0x69: {  	s7 =	simm.s32 $0xC000;
	s5 =	simm.s32 $0x6680;
	[bflag:$0x0] =	sbarrier.arrive $0xFFFF  }
0x6a: {  	[tilespmem:s5], [sflag:$0x7] =	stream.strided.gather [spmem:s17], $0x1800, s7, s6, $0x38;
	[tilespmem:$0x16300] =	vst v63  }
0x6b: {  	s5 =	simm.s32 $0x0;
	_ =	swait.ge [sflag:s21], $0x1800  }
0x6c: {  	s6 =	sand.u32 $0x70, s5;
	s3 =	sand.u32 $0xC00, s5;
	[sflag:s21] =	ssyncset.done $0x0  }
0x6d: {  	s3 =	sor.u32 s6, s3;
	[sflag:s21] =	ssyncadd.s32 $0xFFFFE800  }
0x6e: {  	v3 =	vld [tilespmem:s3+$0x6700]  }
0x6f: {  	v4 =	vld [tilespmem:s3+$0x6680]  }
0x70: {  	v5 =	vld [tilespmem:s3+$0x6780]  }
0x71: {  	v6 =	vld [tilespmem:s3+$0x6800]  }
0x72: {  	v7 =	vld [tilespmem:s3+$0x6880]  }
0x73: {  	v8 =	vld [tilespmem:s3+$0x6900]  }
0x74: {  	v54 =	vld [tilespmem:s3+$0x6980];
	v3 =	vor.u32 v4, v3  }
0x75: {  	v55 =	vld [tilespmem:s3+$0x6A00];
	v3 =	vor.u32 v5, v3  }
0x76: {  	v56 =	vld [tilespmem:s3+$0x7280];
	v3 =	vor.u32 v6, v3  }
0x77: {  	v57 =	vld [tilespmem:s3+$0x7300];
	v3 =	vor.u32 v7, v3  }
0x78: {  	v58 =	vld [tilespmem:s3+$0x7380];
	v3 =	vor.u32 v8, v3  }
0x79: {  	v59 =	vld [tilespmem:s3+$0x7400];
	v3 =	vor.u32 v54, v3  }
0x7a: {  	v60 =	vld [tilespmem:s3+$0x7480];
	v3 =	vor.u32 v55, v3  }
0x7b: {  	v61 =	vld [tilespmem:s3+$0x7500];
	v3 =	vor.u32 v56, v3  }
0x7c: {  	v62 =	vld [tilespmem:s3+$0x7580];
	v3 =	vor.u32 v57, v3  }
0x7d: {  	v63 =	vld [tilespmem:s3+$0x7600];
	v3 =	vor.u32 v58, v3  }
0x7e: {  	v3 =	vor.u32 v59, v3  }
0x7f: {  	v3 =	vor.u32 v60, v3  }
0x80: {  	v3 =	vor.u32 v61, v3  }
0x81: {  	s7 =	simm.s32 $0x10;
	s5 =	simm.s32 $0x80;
	v3 =	vor.u32 v62, v3  }
0x82: {  	s4 =	sand.u32 $0x70, s7;
	s6 =	sand.u32 $0xC00, s5;
	s3 =	simm.s32 $0x14700;
	v3 =	vor.u32 v63, v3  }
0x83: {  	s4 =	sor.u32 s4, s6;
	s6 =	simm.s32 $0x20;
	[tilespmem:s3+$0x0] =	vst v3  }
.LBB2_7:
0x84: {  	p3 =	sne.s32 s6, $0x170;
	v3 =	vld [tilespmem:s4+$0x6700]  }
0x85: {  	v4 =	vld [tilespmem:s4+$0x6680]  }
0x86: {  	v5 =	vld [tilespmem:s4+$0x6780]  }
0x87: {  	v6 =	vld [tilespmem:s4+$0x6800]  }
0x88: {  	v7 =	vld [tilespmem:s4+$0x6880]  }
0x89: {  	v8 =	vld [tilespmem:s4+$0x6900]  }
0x8a: {  	v3 =	vor.u32 v4, v3;
	v4 =	vld [tilespmem:s4+$0x6980]  }
0x8b: {  	v3 =	vor.u32 v5, v3;
	v5 =	vld [tilespmem:s4+$0x6A00]  }
0x8c: {  	v3 =	vor.u32 v6, v3;
	v6 =	vld [tilespmem:s4+$0x7280]  }
0x8d: {  	v3 =	vor.u32 v7, v3;
	v7 =	vld [tilespmem:s4+$0x7300]  }
0x8e: {  	v3 =	vor.u32 v8, v3;
	v8 =	vld [tilespmem:s4+$0x7380]  }
0x8f: {  	v3 =	vor.u32 v4, v3;
	v4 =	vld [tilespmem:s4+$0x7400]  }
0x90: {  	v3 =	vor.u32 v5, v3;
	v5 =	vld [tilespmem:s4+$0x7480]  }
0x91: {  	v3 =	vor.u32 v6, v3;
	v6 =	vld [tilespmem:s4+$0x7500]  }
0x92: {  	v3 =	vor.u32 v7, v3;
	v7 =	vld [tilespmem:s4+$0x7580]  }
0x93: {  	v3 =	vor.u32 v8, v3;
	v8 =	vld [tilespmem:s4+$0x7600]  }
0x94: {  	v3 =	vor.u32 v4, v3  }
.Ltmp5:
0x95: {  	v3 =	vor.u32 v5, v3;
	(pc) =	sbr.rel @p3 .LBB2_7-.Ltmp5, $4  }
0x96: {  	v3 =	vor.u32 v6, v3  }
0x97: {  	s5 =	sadd.s32 $0x80, s5;
	v3 =	vor.u32 v7, v3  }
0x98: {  	s3 =	sadd.s32 $0x10, s3;
	s7 =	sand.u32 $0xC00, s5;
	s4 =	sand.u32 $0x70, s6;
	v3 =	vor.u32 v8, v3  }
0x99: {  	s6 =	sadd.s32 $0x10, s6;
	s4 =	sor.u32 s4, s7;
	[tilespmem:s3+$0x0] =	vst v3  }
0x9a: {  	v3 =	vld [tilespmem:s4+$0x6700]  }
0x9b: {  	v4 =	vld [tilespmem:s4+$0x6680]  }
0x9c: {  	v5 =	vld [tilespmem:s4+$0x6780]  }
0x9d: {  	v6 =	vld [tilespmem:s4+$0x6800]  }
0x9e: {  	v7 =	vld [tilespmem:s4+$0x6880]  }
0x9f: {  	v8 =	vld [tilespmem:s4+$0x6900]  }
0xa0: {  	v54 =	vld [tilespmem:s4+$0x6980];
	v3 =	vor.u32 v4, v3  }
0xa1: {  	v55 =	vld [tilespmem:s4+$0x6A00];
	v3 =	vor.u32 v5, v3  }
0xa2: {  	v56 =	vld [tilespmem:s4+$0x7280];
	v3 =	vor.u32 v6, v3  }
0xa3: {  	v57 =	vld [tilespmem:s4+$0x7300];
	v3 =	vor.u32 v7, v3  }
0xa4: {  	v58 =	vld [tilespmem:s4+$0x7380];
	v3 =	vor.u32 v8, v3  }
0xa5: {  	v59 =	vld [tilespmem:s4+$0x7400];
	v3 =	vor.u32 v54, v3  }
0xa6: {  	v60 =	vld [tilespmem:s4+$0x7480];
	v3 =	vor.u32 v55, v3  }
0xa7: {  	v61 =	vld [tilespmem:s4+$0x7500];
	v3 =	vor.u32 v56, v3  }
0xa8: {  	v62 =	vld [tilespmem:s4+$0x7580];
	v3 =	vor.u32 v57, v3  }
0xa9: {  	v63 =	vld [tilespmem:s4+$0x7600];
	v3 =	vor.u32 v58, v3  }
0xaa: {  	v3 =	vor.u32 v59, v3  }
0xab: {  	v3 =	vor.u32 v60, v3  }
0xac: {  	v3 =	vor.u32 v61, v3  }
0xad: {  	v3 =	vor.u32 v62, v3  }
0xae: {  	s3 =	sadd.s32 $0x10, s3;
	v3 =	vor.u32 v63, v3  }
0xaf: {  	s4 =	simm.s32 @!p2 $0x14700;
	[tilespmem:s3+$0x0] =	vst v3;
	s3 =	simm.s32 @!p2 $0x0  }
0xb0: {  	[hbm4b:s18+s3] =	stream.linear.scatter @!p2 [tilespmem:s4], [sflag:$0x7], $0x8, $0x38;
	[tilespmem:$0x16300] =	vst v63  }
0xb1: {  	s3 =	simm.s32 @!p2 $0x7  }
0xb2: {  	_ =	swait.ge @!p2 [sflag:s3], $0x8  }
0xb3: {  	[sflag:s3] =	ssyncset.done @!p2 $0x0  }
0xb4: {  	s4 =	simm.s32 @!p1 $0x14700;
	[sflag:s3] =	ssyncadd.s32 @!p2 $0xFFFFFFF8;
	s3 =	simm.s32 @!p1 $0x0  }
0xb5: {  	[hbm4b:s19+s3] =	stream.linear.scatter @!p1 [tilespmem:s4], [sflag:$0x7], $0x180, $0x38;
	[tilespmem:$0x16300] =	vst v63  }
.Ltmp6:
0xb6: {  	_ = 	snop;
	(pc) =	sbr.rel .LBB2_22-.Ltmp6, $4  }
0xb7: {  	s3 =	simm.s32 @!p1 $0x7  }
0xb8: {  	_ =	swait.ge @!p1 [sflag:s3], $0x180  }
0xb9: {  	[sflag:s3] =	ssyncset.done @!p1 $0x0  }
0xba: {  	[sflag:s3] =	ssyncadd.s32 @!p1 $0xFFFFFE80  }
.LBB2_9:
0xbb: {  	[bflag:$0x0] =	sbarrier.arrive $0xFFFF  }
0xbc: {  	s3 =	simm.s32 $0x0;
	s4 =	rddreg [dreg:$0x9]  }
0xbd: {  	[tilespmem:s29], [sflag:$0x1] =	stream.linear.gather [hbm4b:s4+s3], $0x4000, $0x38;
	[tilespmem:$0x16300] =	vst v63  }
0xbe: {  	s6 =	rddreg [dreg:$0xa]  }
0xbf: {  	[tilespmem:s30], [sflag:$0x2] =	stream.linear.gather [hbm4b:s6+s3], $0x4000, $0x38;
	[tilespmem:$0x16300] =	vst v63  }
0xc0: {  	s5 =	simm.s32 $0x13E80;
	s7 =	rddreg [dreg:$0x8]  }
0xc1: {  	[tilespmem:s5], [sflag:$0x7] =	stream.linear.gather [hbm4b:s7+s3], $0x80, $0x38;
	[tilespmem:$0x16300] =	vst v63  }
0xc2: {  	_ =	swait.ge [sflag:s21], $0x80  }
0xc3: {  	[sflag:s21] =	ssyncset.done $0x0  }
0xc4: {  	[sflag:s21] =	ssyncadd.s32 $0xFFFFFF80  }
0xc5: {  	s7 =	simm.s32 $0x13F00;
	s6 =	rddreg [dreg:$0x2]  }
0xc6: {  	[tilespmem:s7], [sflag:$0x7] =	stream.linear.gather [hbm4b:s6+s3], $0x800, $0x38;
	[tilespmem:$0x16300] =	vst v63  }
0xc7: {  	_ =	swait.ge [sflag:s21], $0x800  }
0xc8: {  	[sflag:s21] =	ssyncset.done $0x0  }
0xc9: {  	[sflag:s21] =	ssyncadd.s32 $0xFFFFF800  }
0xca: {  	[tilespmem:$0x14880] =	vst v1  }
0xcb: {  	[tilespmem:$0x14890] =	vst v1  }
0xcc: {  	[tilespmem:$0x148A0] =	vst v1  }
0xcd: {  	[tilespmem:$0x148B0] =	vst v1  }
0xce: {  	[tilespmem:$0x148C0] =	vst v1  }
0xcf: {  	[tilespmem:$0x148D0] =	vst v1  }
0xd0: {  	[tilespmem:$0x148E0] =	vst v1  }
0xd1: {  	[tilespmem:$0x148F0] =	vst v1  }
0xd2: {  	[tilespmem:$0x14900] =	vst v1  }
0xd3: {  	[tilespmem:$0x14910] =	vst v1  }
0xd4: {  	[tilespmem:$0x14920] =	vst v1  }
0xd5: {  	[tilespmem:$0x14930] =	vst v1  }
0xd6: {  	[tilespmem:$0x14940] =	vst v1  }
0xd7: {  	[tilespmem:$0x14950] =	vst v1  }
0xd8: {  	[tilespmem:$0x14960] =	vst v1  }
0xd9: {  	[tilespmem:$0x14970] =	vst v1  }
0xda: {  	[tilespmem:$0x14980] =	vst v1  }
0xdb: {  	[tilespmem:$0x14990] =	vst v1  }
0xdc: {  	[tilespmem:$0x149A0] =	vst v1  }
0xdd: {  	[tilespmem:$0x149B0] =	vst v1  }
0xde: {  	[tilespmem:$0x149C0] =	vst v1  }
0xdf: {  	[tilespmem:$0x149D0] =	vst v1  }
0xe0: {  	[tilespmem:$0x149E0] =	vst v1  }
0xe1: {  	[tilespmem:$0x149F0] =	vst v1  }
0xe2: {  	[tilespmem:$0x14A00] =	vst v1  }
0xe3: {  	[tilespmem:$0x14A10] =	vst v1  }
0xe4: {  	[tilespmem:$0x14A20] =	vst v1  }
0xe5: {  	[tilespmem:$0x14A30] =	vst v1  }
0xe6: {  	[tilespmem:$0x14A40] =	vst v1  }
0xe7: {  	[tilespmem:$0x14A50] =	vst v1  }
0xe8: {  	[tilespmem:$0x14A60] =	vst v1  }
0xe9: {  	[tilespmem:$0x14A70] =	vst v1  }
0xea: {  	[tilespmem:$0x14A80] =	vst v1  }
0xeb: {  	[tilespmem:$0x14A90] =	vst v1  }
0xec: {  	[tilespmem:$0x14AA0] =	vst v1  }
0xed: {  	[tilespmem:$0x14AB0] =	vst v1  }
0xee: {  	[tilespmem:$0x14AC0] =	vst v1  }
0xef: {  	[tilespmem:$0x14AD0] =	vst v1  }
0xf0: {  	[tilespmem:$0x14AE0] =	vst v1  }
0xf1: {  	s4 =	simm.s32 $0x0;
	s3 =	simm.s32 $0x40;
	[tilespmem:$0x14AF0] =	vst v1  }
.LBB2_10:
0xf2: {  	p3 =	sne.s32 s3, $0x1F00;
	v3 =	vld [tilespmem:s4+$0x13F00];
	_ =	sdelay $0x4  }
0xf3: {  	v3 =	vsub.s32 v3, v0  }
0xf4: {  	vm0 =	vgt.s32 v3, $0x0  }
0xf5: {  	vm1 =	vlt.u32 v3, $0x280;
	v3 =	vnsel vm0, $0x0, v3  }
0xf6: {  	v3 =	vmin.u32 v3, $0x27F  }
.Ltmp7:
0xf7: {  	(pc) =	sbr.rel @p3 .LBB2_10-.Ltmp7, $2  }
0xf8: {  	_ =	sdelay $0x2  }
0xf9: {  	s4 =	sshra.s32 s3, $0x2;
	s3 =	sadd.s32 $0x40, s3;
	[tilespmem:v3+s0+$0x0] =	vst.idx.msk vm1, v2  }
0xfa: {  	v3 =	vld [tilespmem:s4+$0x13F00];
	_ =	sdelay $0x4  }
0xfb: {  	v3 =	vsub.s32 v3, v0  }
0xfc: {  	vm0 =	vgt.s32 v3, $0x0  }
0xfd: {  	vm1 =	vlt.u32 v3, $0x280;
	v3 =	vnsel vm0, $0x0, v3  }
0xfe: {  	v3 =	vmin.u32 v3, $0x27F;
	_ =	sdelay $0x4  }
0xff: {  	[tilespmem:v3+s0+$0x0] =	vst.idx.msk vm1, v2  }
0x100: {  	v3 =	vld [tilespmem:$0x13E80]  }
0x101: {  	v4 =	vld [tilespmem:$0x13E90]  }
0x102: {  	v5 =	vld [tilespmem:$0x13EA0]  }
0x103: {  	v6 =	vld [tilespmem:$0x13EB0]  }
0x104: {  	s3 =	simm.s32 $0x0;
	v7 =	vld [tilespmem:$0x13EC0]  }
0x105: {  	v11 =	vmov s3;
	v8 =	vld [tilespmem:$0x13ED0]  }
0x106: {  	v9 =	vld [tilespmem:$0x13EE0]  }
0x107: {  	v10 =	vld [tilespmem:$0x13EF0];
	_ =	swait.ge [sflag:s1], $0x4000  }
0x108: {  	[sflag:s1] =	ssyncset.done $0x0  }
0x109: {  	[sflag:s1] =	ssyncadd.s32 $0xFFFFC000  }
0x10a: {  	v12 =	vld.idx.msk [tilespmem:v11+s0+$0x0], $0xffff;
	_ =	sdelay $0x4  }
0x10b: {  	s3 =	simm.s32 $0x0;
	vm0 =	vgt.s32 v12, $0x0  }
0x10c: {  	[tilespmem:s3+$0x7E80] =	vst.msk vm0, v3  }
0x10d: {  	[tilespmem:s3+$0x7E90] =	vst.msk vm0, v4  }
0x10e: {  	[tilespmem:s3+$0x7EA0] =	vst.msk vm0, v5  }
0x10f: {  	v11 =	vor.u32 $0x1, v11;
	[tilespmem:s3+$0x7EB0] =	vst.msk vm0, v6  }
0x110: {  	[tilespmem:s3+$0x7EC0] =	vst.msk vm0, v7  }
0x111: {  	[tilespmem:s3+$0x7ED0] =	vst.msk vm0, v8  }
0x112: {  	[tilespmem:s3+$0x7EE0] =	vst.msk vm0, v9  }
0x113: {  	[tilespmem:s3+$0x7EF0] =	vst.msk vm0, v10  }
0x114: {  	v11 =	vld.idx.msk [tilespmem:v11+s0+$0x0], $0xffff;
	_ =	sdelay $0x4  }
0x115: {  	vm0 =	vgt.s32 v11, $0x0  }
0x116: {  	[tilespmem:s3+$0x7F00] =	vst.msk vm0, v3  }
0x117: {  	[tilespmem:s3+$0x7F10] =	vst.msk vm0, v4  }
0x118: {  	s5 =	simm.s32 $0x2;
	[tilespmem:s3+$0x7F20] =	vst.msk vm0, v5  }
0x119: {  	v11 =	vmov s5;
	[tilespmem:s3+$0x7F30] =	vst.msk vm0, v6  }
0x11a: {  	[tilespmem:s3+$0x7F40] =	vst.msk vm0, v7  }
0x11b: {  	[tilespmem:s3+$0x7F50] =	vst.msk vm0, v8  }
0x11c: {  	s4 =	simm.s32 $0x400;
	s6 =	simm.s32 $0x800;
	[tilespmem:s3+$0x7F60] =	vst.msk vm0, v9  }
.LBB2_12:
0x11d: {  	p3 =	sne.s32 s6, $0xFC00;
	[tilespmem:s3+$0x7F70] =	vst.msk vm0, v10;
	s7 =	smov.u32 s6;
	s6 =	sadd.s32 $0x400, s6  }
0x11e: {  	v12 =	vld.idx.msk [tilespmem:v11+s0+$0x0], $0xffff;
	_ =	sdelay $0x5  }
0x11f: {  	s3 =	sshra.s32 s4, $0x2;
	s4 =	smov.u32 s7;
	vm0 =	vgt.s32 v12, $0x0  }
0x120: {  	[tilespmem:s3+$0x7E80] =	vst.msk vm0, v3  }
0x121: {  	[tilespmem:s3+$0x7E90] =	vst.msk vm0, v4  }
0x122: {  	[tilespmem:s3+$0x7EA0] =	vst.msk vm0, v5  }
0x123: {  	v11 =	vor.u32 $0x1, v11;
	[tilespmem:s3+$0x7EB0] =	vst.msk vm0, v6  }
0x124: {  	[tilespmem:s3+$0x7EC0] =	vst.msk vm0, v7  }
0x125: {  	[tilespmem:s3+$0x7ED0] =	vst.msk vm0, v8  }
0x126: {  	[tilespmem:s3+$0x7EE0] =	vst.msk vm0, v9  }
0x127: {  	[tilespmem:s3+$0x7EF0] =	vst.msk vm0, v10  }
0x128: {  	v11 =	vld.idx.msk [tilespmem:v11+s0+$0x0], $0xffff;
	_ =	sdelay $0x5  }
0x129: {  	vm0 =	vgt.s32 v11, $0x0  }
0x12a: {  	[tilespmem:s3+$0x7F00] =	vst.msk vm0, v3  }
0x12b: {  	[tilespmem:s3+$0x7F10] =	vst.msk vm0, v4  }
.Ltmp8:
0x12c: {  	s5 =	sadd.s32 $0x2, s5;
	[tilespmem:s3+$0x7F20] =	vst.msk vm0, v5;
	(pc) =	sbr.rel @p3 .LBB2_12-.Ltmp8, $4  }
0x12d: {  	v11 =	vmov s5;
	[tilespmem:s3+$0x7F30] =	vst.msk vm0, v6  }
0x12e: {  	[tilespmem:s3+$0x7F40] =	vst.msk vm0, v7  }
0x12f: {  	[tilespmem:s3+$0x7F50] =	vst.msk vm0, v8  }
0x130: {  	[tilespmem:s3+$0x7F60] =	vst.msk vm0, v9  }
0x131: {  	_ =	sdelay $0x2  }
0x132: {  	[tilespmem:s3+$0x7F70] =	vst.msk vm0, v10  }
0x133: {  	v12 =	vld.idx.msk [tilespmem:v11+s0+$0x0], $0xffff;
	_ =	sdelay $0x4  }
0x134: {  	s5 =	sshra.s32 s4, $0x2;
	vm0 =	vgt.s32 v12, $0x0  }
0x135: {  	[tilespmem:s5+$0x7E80] =	vst.msk vm0, v3  }
0x136: {  	[tilespmem:s5+$0x7E90] =	vst.msk vm0, v4  }
0x137: {  	[tilespmem:s5+$0x7EA0] =	vst.msk vm0, v5  }
0x138: {  	v11 =	vor.u32 $0x1, v11;
	[tilespmem:s5+$0x7EB0] =	vst.msk vm0, v6  }
0x139: {  	[tilespmem:s5+$0x7EC0] =	vst.msk vm0, v7  }
0x13a: {  	[tilespmem:s5+$0x7ED0] =	vst.msk vm0, v8  }
0x13b: {  	[tilespmem:s5+$0x7EE0] =	vst.msk vm0, v9  }
0x13c: {  	[tilespmem:s5+$0x7EF0] =	vst.msk vm0, v10  }
0x13d: {  	v11 =	vld.idx.msk [tilespmem:v11+s0+$0x0], $0xffff;
	_ =	sdelay $0x4  }
0x13e: {  	vm0 =	vgt.s32 v11, $0x0  }
0x13f: {  	[tilespmem:s5+$0x7F00] =	vst.msk vm0, v3  }
0x140: {  	[tilespmem:s5+$0x7F10] =	vst.msk vm0, v4  }
0x141: {  	[tilespmem:s5+$0x7F20] =	vst.msk vm0, v5  }
0x142: {  	[tilespmem:s5+$0x7F30] =	vst.msk vm0, v6  }
0x143: {  	[tilespmem:s5+$0x7F40] =	vst.msk vm0, v7  }
0x144: {  	[tilespmem:s5+$0x7F50] =	vst.msk vm0, v8  }
0x145: {  	[tilespmem:s5+$0x7F60] =	vst.msk vm0, v9  }
0x146: {  	s6 =	simm.s32 $0x0;
	s7 =	rddreg [dreg:$0xb];
	[tilespmem:s5+$0x7F70] =	vst.msk vm0, v10  }
0x147: {  	v11 =	vmov s6;
	[hbm4b:s7+s6] =	stream.linear.scatter [tilespmem:s29], [sflag:$0x4], $0x4000, $0x38;
	[tilespmem:$0x16300] =	vst v63  }
0x148: {  	v12 =	vor.u32 $0x80, v11  }
0x149: {  	[tilespmem:s23], [sflag:$0x3] =	stream.linear.gather [hbm4b:s8+s6], $0x4000, $0x38;
	[tilespmem:$0x16300] =	vst v63  }
0x14a: {  	_ =	swait.ge [sflag:s24], $0x4000  }
0x14b: {  	[sflag:s24] =	ssyncset.done $0x0  }
0x14c: {  	[sflag:s24] =	ssyncadd.s32 $0xFFFFC000  }
0x14d: {  	v12 =	vld.idx.msk [tilespmem:v12+s0+$0x0], $0xffff;
	_ =	sdelay $0x4  }
0x14e: {  	s3 =	simm.s32 $0x0;
	vm0 =	vgt.s32 v12, $0x0  }
0x14f: {  	[tilespmem:s3+$0xBE80] =	vst.msk vm0, v3  }
0x150: {  	[tilespmem:s3+$0xBE90] =	vst.msk vm0, v4  }
0x151: {  	[tilespmem:s3+$0xBEA0] =	vst.msk vm0, v5  }
0x152: {  	v11 =	vor.u32 $0x81, v11;
	[tilespmem:s3+$0xBEB0] =	vst.msk vm0, v6  }
0x153: {  	[tilespmem:s3+$0xBEC0] =	vst.msk vm0, v7  }
0x154: {  	[tilespmem:s3+$0xBED0] =	vst.msk vm0, v8  }
0x155: {  	[tilespmem:s3+$0xBEE0] =	vst.msk vm0, v9  }
0x156: {  	[tilespmem:s3+$0xBEF0] =	vst.msk vm0, v10  }
0x157: {  	v11 =	vld.idx.msk [tilespmem:v11+s0+$0x0], $0xffff;
	_ =	sdelay $0x4  }
0x158: {  	vm0 =	vgt.s32 v11, $0x0  }
0x159: {  	[tilespmem:s3+$0xBF00] =	vst.msk vm0, v3  }
0x15a: {  	s4 =	simm.s32 $0x2;
	[tilespmem:s3+$0xBF10] =	vst.msk vm0, v4  }
0x15b: {  	v11 =	vmov s4;
	[tilespmem:s3+$0xBF20] =	vst.msk vm0, v5  }
0x15c: {  	v12 =	vor.u32 $0x80, v11;
	[tilespmem:s3+$0xBF30] =	vst.msk vm0, v6  }
0x15d: {  	[tilespmem:s3+$0xBF40] =	vst.msk vm0, v7  }
0x15e: {  	[tilespmem:s3+$0xBF50] =	vst.msk vm0, v8  }
0x15f: {  	s5 =	simm.s32 $0x400;
	s6 =	simm.s32 $0x800;
	[tilespmem:s3+$0xBF60] =	vst.msk vm0, v9  }
.LBB2_14:
0x160: {  	p3 =	sne.s32 s6, $0xFC00;
	[tilespmem:s3+$0xBF70] =	vst.msk vm0, v10;
	s7 =	smov.u32 s6;
	s6 =	sadd.s32 $0x400, s6  }
0x161: {  	v12 =	vld.idx.msk [tilespmem:v12+s0+$0x0], $0xffff;
	_ =	sdelay $0x5  }
0x162: {  	s3 =	sshra.s32 s5, $0x2;
	s5 =	smov.u32 s7;
	vm0 =	vgt.s32 v12, $0x0  }
0x163: {  	[tilespmem:s3+$0xBE80] =	vst.msk vm0, v3  }
0x164: {  	[tilespmem:s3+$0xBE90] =	vst.msk vm0, v4  }
0x165: {  	[tilespmem:s3+$0xBEA0] =	vst.msk vm0, v5  }
0x166: {  	v11 =	vor.u32 $0x81, v11;
	[tilespmem:s3+$0xBEB0] =	vst.msk vm0, v6  }
0x167: {  	[tilespmem:s3+$0xBEC0] =	vst.msk vm0, v7  }
0x168: {  	[tilespmem:s3+$0xBED0] =	vst.msk vm0, v8  }
0x169: {  	[tilespmem:s3+$0xBEE0] =	vst.msk vm0, v9  }
0x16a: {  	[tilespmem:s3+$0xBEF0] =	vst.msk vm0, v10  }
0x16b: {  	v11 =	vld.idx.msk [tilespmem:v11+s0+$0x0], $0xffff;
	_ =	sdelay $0x5  }
0x16c: {  	vm0 =	vgt.s32 v11, $0x0  }
0x16d: {  	[tilespmem:s3+$0xBF00] =	vst.msk vm0, v3  }
0x16e: {  	s4 =	sadd.s32 $0x2, s4;
	[tilespmem:s3+$0xBF10] =	vst.msk vm0, v4  }
.Ltmp9:
0x16f: {  	v11 =	vmov s4;
	[tilespmem:s3+$0xBF20] =	vst.msk vm0, v5;
	(pc) =	sbr.rel @p3 .LBB2_14-.Ltmp9, $4  }
0x170: {  	v12 =	vor.u32 $0x80, v11;
	[tilespmem:s3+$0xBF30] =	vst.msk vm0, v6  }
0x171: {  	[tilespmem:s3+$0xBF40] =	vst.msk vm0, v7  }
0x172: {  	[tilespmem:s3+$0xBF50] =	vst.msk vm0, v8  }
0x173: {  	[tilespmem:s3+$0xBF60] =	vst.msk vm0, v9  }
0x174: {  	_ =	sdelay $0x2  }
0x175: {  	[tilespmem:s3+$0xBF70] =	vst.msk vm0, v10  }
0x176: {  	v12 =	vld.idx.msk [tilespmem:v12+s0+$0x0], $0xffff;
	_ =	sdelay $0x4  }
0x177: {  	s6 =	sshra.s32 s5, $0x2;
	vm0 =	vgt.s32 v12, $0x0  }
0x178: {  	[tilespmem:s6+$0xBE80] =	vst.msk vm0, v3  }
0x179: {  	[tilespmem:s6+$0xBE90] =	vst.msk vm0, v4  }
0x17a: {  	[tilespmem:s6+$0xBEA0] =	vst.msk vm0, v5  }
0x17b: {  	v11 =	vor.u32 $0x81, v11;
	[tilespmem:s6+$0xBEB0] =	vst.msk vm0, v6  }
0x17c: {  	[tilespmem:s6+$0xBEC0] =	vst.msk vm0, v7  }
0x17d: {  	[tilespmem:s6+$0xBED0] =	vst.msk vm0, v8  }
0x17e: {  	[tilespmem:s6+$0xBEE0] =	vst.msk vm0, v9  }
0x17f: {  	[tilespmem:s6+$0xBEF0] =	vst.msk vm0, v10  }
0x180: {  	v11 =	vld.idx.msk [tilespmem:v11+s0+$0x0], $0xffff;
	_ =	sdelay $0x4  }
0x181: {  	vm0 =	vgt.s32 v11, $0x0  }
0x182: {  	[tilespmem:s6+$0xBF00] =	vst.msk vm0, v3  }
0x183: {  	[tilespmem:s6+$0xBF10] =	vst.msk vm0, v4  }
0x184: {  	[tilespmem:s6+$0xBF20] =	vst.msk vm0, v5  }
0x185: {  	[tilespmem:s6+$0xBF30] =	vst.msk vm0, v6  }
0x186: {  	[tilespmem:s6+$0xBF40] =	vst.msk vm0, v7  }
0x187: {  	[tilespmem:s6+$0xBF50] =	vst.msk vm0, v8  }
0x188: {  	[tilespmem:s6+$0xBF60] =	vst.msk vm0, v9  }
0x189: {  	s7 =	simm.s32 $0x0;
	[tilespmem:s6+$0xBF70] =	vst.msk vm0, v10  }
0x18a: {  	[hbm4b:s9+s7] =	stream.linear.scatter [tilespmem:s30], [sflag:$0x5], $0x4000, $0x38;
	[tilespmem:$0x16300] =	vst v63  }
0x18b: {  	_ =	swait.ge [sflag:s25], $0x4000  }
0x18c: {  	v11 =	vmov s7;
	[sflag:s25] =	ssyncset.done $0x0  }
0x18d: {  	v12 =	vor.u32 $0x100, v11;
	[sflag:s25] =	ssyncadd.s32 $0xFFFFC000  }
0x18e: {  	[tilespmem:s29], [sflag:$0x1] =	stream.linear.gather [hbm4b:s10+s7], $0x4000, $0x38;
	[tilespmem:$0x16300] =	vst v63  }
0x18f: {  	_ =	swait.ge [sflag:s26], $0x4000  }
0x190: {  	[sflag:s26] =	ssyncset.done $0x0  }
0x191: {  	[sflag:s26] =	ssyncadd.s32 $0xFFFFC000  }
0x192: {  	v12 =	vld.idx.msk [tilespmem:v12+s0+$0x0], $0xffff;
	_ =	sdelay $0x4  }
0x193: {  	s3 =	simm.s32 $0x0;
	vm0 =	vgt.s32 v12, $0x0  }
0x194: {  	[tilespmem:s3+$0xFE80] =	vst.msk vm0, v3  }
0x195: {  	[tilespmem:s3+$0xFE90] =	vst.msk vm0, v4  }
0x196: {  	[tilespmem:s3+$0xFEA0] =	vst.msk vm0, v5  }
0x197: {  	v11 =	vor.u32 $0x101, v11;
	[tilespmem:s3+$0xFEB0] =	vst.msk vm0, v6  }
0x198: {  	[tilespmem:s3+$0xFEC0] =	vst.msk vm0, v7  }
0x199: {  	[tilespmem:s3+$0xFED0] =	vst.msk vm0, v8  }
0x19a: {  	[tilespmem:s3+$0xFEE0] =	vst.msk vm0, v9  }
0x19b: {  	[tilespmem:s3+$0xFEF0] =	vst.msk vm0, v10  }
0x19c: {  	v11 =	vld.idx.msk [tilespmem:v11+s0+$0x0], $0xffff;
	_ =	sdelay $0x4  }
0x19d: {  	vm0 =	vgt.s32 v11, $0x0  }
0x19e: {  	[tilespmem:s3+$0xFF00] =	vst.msk vm0, v3  }
0x19f: {  	s4 =	simm.s32 $0x2;
	[tilespmem:s3+$0xFF10] =	vst.msk vm0, v4  }
0x1a0: {  	v11 =	vmov s4;
	[tilespmem:s3+$0xFF20] =	vst.msk vm0, v5  }
0x1a1: {  	v12 =	vor.u32 $0x100, v11;
	[tilespmem:s3+$0xFF30] =	vst.msk vm0, v6  }
0x1a2: {  	[tilespmem:s3+$0xFF40] =	vst.msk vm0, v7  }
0x1a3: {  	[tilespmem:s3+$0xFF50] =	vst.msk vm0, v8  }
0x1a4: {  	s5 =	simm.s32 $0x400;
	s6 =	simm.s32 $0x800;
	[tilespmem:s3+$0xFF60] =	vst.msk vm0, v9  }
.LBB2_16:
0x1a5: {  	p3 =	sne.s32 s6, $0xFC00;
	[tilespmem:s3+$0xFF70] =	vst.msk vm0, v10;
	s7 =	smov.u32 s6;
	s6 =	sadd.s32 $0x400, s6  }
0x1a6: {  	v12 =	vld.idx.msk [tilespmem:v12+s0+$0x0], $0xffff;
	_ =	sdelay $0x5  }
0x1a7: {  	s3 =	sshra.s32 s5, $0x2;
	s5 =	smov.u32 s7;
	vm0 =	vgt.s32 v12, $0x0  }
0x1a8: {  	[tilespmem:s3+$0xFE80] =	vst.msk vm0, v3  }
0x1a9: {  	[tilespmem:s3+$0xFE90] =	vst.msk vm0, v4  }
0x1aa: {  	[tilespmem:s3+$0xFEA0] =	vst.msk vm0, v5  }
0x1ab: {  	v11 =	vor.u32 $0x101, v11;
	[tilespmem:s3+$0xFEB0] =	vst.msk vm0, v6  }
0x1ac: {  	[tilespmem:s3+$0xFEC0] =	vst.msk vm0, v7  }
0x1ad: {  	[tilespmem:s3+$0xFED0] =	vst.msk vm0, v8  }
0x1ae: {  	[tilespmem:s3+$0xFEE0] =	vst.msk vm0, v9  }
0x1af: {  	[tilespmem:s3+$0xFEF0] =	vst.msk vm0, v10  }
0x1b0: {  	v11 =	vld.idx.msk [tilespmem:v11+s0+$0x0], $0xffff;
	_ =	sdelay $0x5  }
0x1b1: {  	vm0 =	vgt.s32 v11, $0x0  }
0x1b2: {  	[tilespmem:s3+$0xFF00] =	vst.msk vm0, v3  }
0x1b3: {  	s4 =	sadd.s32 $0x2, s4;
	[tilespmem:s3+$0xFF10] =	vst.msk vm0, v4  }
.Ltmp10:
0x1b4: {  	v11 =	vmov s4;
	[tilespmem:s3+$0xFF20] =	vst.msk vm0, v5;
	(pc) =	sbr.rel @p3 .LBB2_16-.Ltmp10, $4  }
0x1b5: {  	v12 =	vor.u32 $0x100, v11;
	[tilespmem:s3+$0xFF30] =	vst.msk vm0, v6  }
0x1b6: {  	[tilespmem:s3+$0xFF40] =	vst.msk vm0, v7  }
0x1b7: {  	[tilespmem:s3+$0xFF50] =	vst.msk vm0, v8  }
0x1b8: {  	[tilespmem:s3+$0xFF60] =	vst.msk vm0, v9  }
0x1b9: {  	_ =	sdelay $0x2  }
0x1ba: {  	[tilespmem:s3+$0xFF70] =	vst.msk vm0, v10  }
0x1bb: {  	v12 =	vld.idx.msk [tilespmem:v12+s0+$0x0], $0xffff;
	_ =	sdelay $0x4  }
0x1bc: {  	s6 =	sshra.s32 s5, $0x2;
	vm0 =	vgt.s32 v12, $0x0  }
0x1bd: {  	[tilespmem:s6+$0xFE80] =	vst.msk vm0, v3  }
0x1be: {  	[tilespmem:s6+$0xFE90] =	vst.msk vm0, v4  }
0x1bf: {  	[tilespmem:s6+$0xFEA0] =	vst.msk vm0, v5  }
0x1c0: {  	v11 =	vor.u32 $0x101, v11;
	[tilespmem:s6+$0xFEB0] =	vst.msk vm0, v6  }
0x1c1: {  	[tilespmem:s6+$0xFEC0] =	vst.msk vm0, v7  }
0x1c2: {  	[tilespmem:s6+$0xFED0] =	vst.msk vm0, v8  }
0x1c3: {  	[tilespmem:s6+$0xFEE0] =	vst.msk vm0, v9  }
0x1c4: {  	[tilespmem:s6+$0xFEF0] =	vst.msk vm0, v10  }
0x1c5: {  	v11 =	vld.idx.msk [tilespmem:v11+s0+$0x0], $0xffff;
	_ =	sdelay $0x4  }
0x1c6: {  	vm0 =	vgt.s32 v11, $0x0  }
0x1c7: {  	[tilespmem:s6+$0xFF00] =	vst.msk vm0, v3  }
0x1c8: {  	[tilespmem:s6+$0xFF10] =	vst.msk vm0, v4  }
0x1c9: {  	[tilespmem:s6+$0xFF20] =	vst.msk vm0, v5  }
0x1ca: {  	[tilespmem:s6+$0xFF30] =	vst.msk vm0, v6  }
0x1cb: {  	[tilespmem:s6+$0xFF40] =	vst.msk vm0, v7  }
0x1cc: {  	[tilespmem:s6+$0xFF50] =	vst.msk vm0, v8  }
0x1cd: {  	[tilespmem:s6+$0xFF60] =	vst.msk vm0, v9  }
0x1ce: {  	s7 =	simm.s32 $0x0;
	[tilespmem:s6+$0xFF70] =	vst.msk vm0, v10  }
0x1cf: {  	[hbm4b:s11+s7] =	stream.linear.scatter [tilespmem:s23], [sflag:$0x6], $0x4000, $0x38;
	[tilespmem:$0x16300] =	vst v63  }
0x1d0: {  	_ =	swait.ge [sflag:s28], $0x4000  }
0x1d1: {  	v11 =	vmov s7;
	[sflag:s28] =	ssyncset.done $0x0  }
0x1d2: {  	v12 =	vor.u32 $0x180, v11;
	[sflag:s28] =	ssyncadd.s32 $0xFFFFC000  }
0x1d3: {  	[tilespmem:s30], [sflag:$0x2] =	stream.linear.gather [hbm4b:s12+s7], $0x4000, $0x38;
	[tilespmem:$0x16300] =	vst v63  }
0x1d4: {  	_ =	swait.ge [sflag:s1], $0x4000  }
0x1d5: {  	[sflag:s1] =	ssyncset.done $0x0  }
0x1d6: {  	[sflag:s1] =	ssyncadd.s32 $0xFFFFC000  }
0x1d7: {  	v12 =	vld.idx.msk [tilespmem:v12+s0+$0x0], $0xffff;
	_ =	sdelay $0x4  }
0x1d8: {  	s3 =	simm.s32 $0x0;
	vm0 =	vgt.s32 v12, $0x0  }
0x1d9: {  	[tilespmem:s3+$0x7E80] =	vst.msk vm0, v3  }
0x1da: {  	[tilespmem:s3+$0x7E90] =	vst.msk vm0, v4  }
0x1db: {  	[tilespmem:s3+$0x7EA0] =	vst.msk vm0, v5  }
0x1dc: {  	v11 =	vor.u32 $0x181, v11;
	[tilespmem:s3+$0x7EB0] =	vst.msk vm0, v6  }
0x1dd: {  	[tilespmem:s3+$0x7EC0] =	vst.msk vm0, v7  }
0x1de: {  	[tilespmem:s3+$0x7ED0] =	vst.msk vm0, v8  }
0x1df: {  	[tilespmem:s3+$0x7EE0] =	vst.msk vm0, v9  }
0x1e0: {  	[tilespmem:s3+$0x7EF0] =	vst.msk vm0, v10  }
0x1e1: {  	v11 =	vld.idx.msk [tilespmem:v11+s0+$0x0], $0xffff;
	_ =	sdelay $0x4  }
0x1e2: {  	vm0 =	vgt.s32 v11, $0x0  }
0x1e3: {  	[tilespmem:s3+$0x7F00] =	vst.msk vm0, v3  }
0x1e4: {  	s4 =	simm.s32 $0x2;
	[tilespmem:s3+$0x7F10] =	vst.msk vm0, v4  }
0x1e5: {  	v11 =	vmov s4;
	[tilespmem:s3+$0x7F20] =	vst.msk vm0, v5  }
0x1e6: {  	v12 =	vor.u32 $0x180, v11;
	[tilespmem:s3+$0x7F30] =	vst.msk vm0, v6  }
0x1e7: {  	[tilespmem:s3+$0x7F40] =	vst.msk vm0, v7  }
0x1e8: {  	[tilespmem:s3+$0x7F50] =	vst.msk vm0, v8  }
0x1e9: {  	s5 =	simm.s32 $0x400;
	s6 =	simm.s32 $0x800;
	[tilespmem:s3+$0x7F60] =	vst.msk vm0, v9  }
.LBB2_18:
0x1ea: {  	p3 =	sne.s32 s6, $0xFC00;
	[tilespmem:s3+$0x7F70] =	vst.msk vm0, v10;
	s7 =	smov.u32 s6;
	s6 =	sadd.s32 $0x400, s6  }
0x1eb: {  	v12 =	vld.idx.msk [tilespmem:v12+s0+$0x0], $0xffff;
	_ =	sdelay $0x5  }
0x1ec: {  	s3 =	sshra.s32 s5, $0x2;
	s5 =	smov.u32 s7;
	vm0 =	vgt.s32 v12, $0x0  }
0x1ed: {  	[tilespmem:s3+$0x7E80] =	vst.msk vm0, v3  }
0x1ee: {  	[tilespmem:s3+$0x7E90] =	vst.msk vm0, v4  }
0x1ef: {  	[tilespmem:s3+$0x7EA0] =	vst.msk vm0, v5  }
0x1f0: {  	v11 =	vor.u32 $0x181, v11;
	[tilespmem:s3+$0x7EB0] =	vst.msk vm0, v6  }
0x1f1: {  	[tilespmem:s3+$0x7EC0] =	vst.msk vm0, v7  }
0x1f2: {  	[tilespmem:s3+$0x7ED0] =	vst.msk vm0, v8  }
0x1f3: {  	[tilespmem:s3+$0x7EE0] =	vst.msk vm0, v9  }
0x1f4: {  	[tilespmem:s3+$0x7EF0] =	vst.msk vm0, v10  }
0x1f5: {  	v11 =	vld.idx.msk [tilespmem:v11+s0+$0x0], $0xffff;
	_ =	sdelay $0x5  }
0x1f6: {  	vm0 =	vgt.s32 v11, $0x0  }
0x1f7: {  	[tilespmem:s3+$0x7F00] =	vst.msk vm0, v3  }
0x1f8: {  	s4 =	sadd.s32 $0x2, s4;
	[tilespmem:s3+$0x7F10] =	vst.msk vm0, v4  }
.Ltmp11:
0x1f9: {  	v11 =	vmov s4;
	[tilespmem:s3+$0x7F20] =	vst.msk vm0, v5;
	(pc) =	sbr.rel @p3 .LBB2_18-.Ltmp11, $4  }
0x1fa: {  	v12 =	vor.u32 $0x180, v11;
	[tilespmem:s3+$0x7F30] =	vst.msk vm0, v6  }
0x1fb: {  	[tilespmem:s3+$0x7F40] =	vst.msk vm0, v7  }
0x1fc: {  	[tilespmem:s3+$0x7F50] =	vst.msk vm0, v8  }
0x1fd: {  	[tilespmem:s3+$0x7F60] =	vst.msk vm0, v9  }
0x1fe: {  	_ =	sdelay $0x2  }
0x1ff: {  	[tilespmem:s3+$0x7F70] =	vst.msk vm0, v10  }
0x200: {  	v12 =	vld.idx.msk [tilespmem:v12+s0+$0x0], $0xffff;
	_ =	sdelay $0x4  }
0x201: {  	s7 =	sshra.s32 s5, $0x2;
	vm0 =	vgt.s32 v12, $0x0  }
0x202: {  	[tilespmem:s7+$0x7E80] =	vst.msk vm0, v3  }
0x203: {  	[tilespmem:s7+$0x7E90] =	vst.msk vm0, v4  }
0x204: {  	[tilespmem:s7+$0x7EA0] =	vst.msk vm0, v5  }
0x205: {  	v11 =	vor.u32 $0x181, v11;
	[tilespmem:s7+$0x7EB0] =	vst.msk vm0, v6  }
0x206: {  	[tilespmem:s7+$0x7EC0] =	vst.msk vm0, v7  }
0x207: {  	[tilespmem:s7+$0x7ED0] =	vst.msk vm0, v8  }
0x208: {  	[tilespmem:s7+$0x7EE0] =	vst.msk vm0, v9  }
0x209: {  	[tilespmem:s7+$0x7EF0] =	vst.msk vm0, v10  }
0x20a: {  	v11 =	vld.idx.msk [tilespmem:v11+s0+$0x0], $0xffff;
	_ =	sdelay $0x4  }
0x20b: {  	vm0 =	vgt.s32 v11, $0x0  }
0x20c: {  	[tilespmem:s7+$0x7F00] =	vst.msk vm0, v3  }
0x20d: {  	[tilespmem:s7+$0x7F10] =	vst.msk vm0, v4  }
0x20e: {  	[tilespmem:s7+$0x7F20] =	vst.msk vm0, v5  }
0x20f: {  	[tilespmem:s7+$0x7F30] =	vst.msk vm0, v6  }
0x210: {  	[tilespmem:s7+$0x7F40] =	vst.msk vm0, v7  }
0x211: {  	s4 =	simm.s32 $0x0;
	[tilespmem:s7+$0x7F50] =	vst.msk vm0, v8  }
0x212: {  	v11 =	vmov s4;
	[tilespmem:s7+$0x7F60] =	vst.msk vm0, v9  }
0x213: {  	v12 =	vor.u32 $0x200, v11;
	[tilespmem:s7+$0x7F70] =	vst.msk vm0, v10  }
0x214: {  	[hbm4b:s13+s4] =	stream.linear.scatter [tilespmem:s29], [sflag:$0x4], $0x4000, $0x38;
	[tilespmem:$0x16300] =	vst v63  }
0x215: {  	_ =	swait.ge [sflag:s24], $0x4000  }
0x216: {  	[sflag:s24] =	ssyncset.done $0x0  }
0x217: {  	[sflag:s24] =	ssyncadd.s32 $0xFFFFC000  }
0x218: {  	v12 =	vld.idx.msk [tilespmem:v12+s0+$0x0], $0xffff;
	_ =	sdelay $0x4  }
0x219: {  	s3 =	simm.s32 $0x0;
	vm0 =	vgt.s32 v12, $0x0  }
0x21a: {  	[tilespmem:s3+$0xBE80] =	vst.msk vm0, v3  }
0x21b: {  	[tilespmem:s3+$0xBE90] =	vst.msk vm0, v4  }
0x21c: {  	[tilespmem:s3+$0xBEA0] =	vst.msk vm0, v5  }
0x21d: {  	v11 =	vor.u32 $0x201, v11;
	[tilespmem:s3+$0xBEB0] =	vst.msk vm0, v6  }
0x21e: {  	[tilespmem:s3+$0xBEC0] =	vst.msk vm0, v7  }
0x21f: {  	[tilespmem:s3+$0xBED0] =	vst.msk vm0, v8  }
0x220: {  	[tilespmem:s3+$0xBEE0] =	vst.msk vm0, v9  }
0x221: {  	[tilespmem:s3+$0xBEF0] =	vst.msk vm0, v10  }
0x222: {  	v11 =	vld.idx.msk [tilespmem:v11+s0+$0x0], $0xffff;
	_ =	sdelay $0x4  }
0x223: {  	vm0 =	vgt.s32 v11, $0x0  }
0x224: {  	[tilespmem:s3+$0xBF00] =	vst.msk vm0, v3  }
0x225: {  	s4 =	simm.s32 $0x2;
	[tilespmem:s3+$0xBF10] =	vst.msk vm0, v4  }
0x226: {  	v11 =	vmov s4;
	[tilespmem:s3+$0xBF20] =	vst.msk vm0, v5  }
0x227: {  	v12 =	vor.u32 $0x200, v11;
	[tilespmem:s3+$0xBF30] =	vst.msk vm0, v6  }
0x228: {  	[tilespmem:s3+$0xBF40] =	vst.msk vm0, v7  }
0x229: {  	[tilespmem:s3+$0xBF50] =	vst.msk vm0, v8  }
0x22a: {  	s5 =	simm.s32 $0x400;
	s6 =	simm.s32 $0x800;
	[tilespmem:s3+$0xBF60] =	vst.msk vm0, v9  }
.LBB2_20:
0x22b: {  	p3 =	sne.s32 s6, $0xFC00;
	[tilespmem:s3+$0xBF70] =	vst.msk vm0, v10;
	s7 =	smov.u32 s6;
	s6 =	sadd.s32 $0x400, s6  }
0x22c: {  	v12 =	vld.idx.msk [tilespmem:v12+s0+$0x0], $0xffff;
	_ =	sdelay $0x5  }
0x22d: {  	s3 =	sshra.s32 s5, $0x2;
	s5 =	smov.u32 s7;
	vm0 =	vgt.s32 v12, $0x0  }
0x22e: {  	[tilespmem:s3+$0xBE80] =	vst.msk vm0, v3  }
0x22f: {  	[tilespmem:s3+$0xBE90] =	vst.msk vm0, v4  }
0x230: {  	[tilespmem:s3+$0xBEA0] =	vst.msk vm0, v5  }
0x231: {  	v11 =	vor.u32 $0x201, v11;
	[tilespmem:s3+$0xBEB0] =	vst.msk vm0, v6  }
0x232: {  	[tilespmem:s3+$0xBEC0] =	vst.msk vm0, v7  }
0x233: {  	[tilespmem:s3+$0xBED0] =	vst.msk vm0, v8  }
0x234: {  	[tilespmem:s3+$0xBEE0] =	vst.msk vm0, v9  }
0x235: {  	[tilespmem:s3+$0xBEF0] =	vst.msk vm0, v10  }
0x236: {  	v11 =	vld.idx.msk [tilespmem:v11+s0+$0x0], $0xffff;
	_ =	sdelay $0x5  }
0x237: {  	vm0 =	vgt.s32 v11, $0x0  }
0x238: {  	[tilespmem:s3+$0xBF00] =	vst.msk vm0, v3  }
0x239: {  	s4 =	sadd.s32 $0x2, s4;
	[tilespmem:s3+$0xBF10] =	vst.msk vm0, v4  }
.Ltmp12:
0x23a: {  	v11 =	vmov s4;
	[tilespmem:s3+$0xBF20] =	vst.msk vm0, v5;
	(pc) =	sbr.rel @p3 .LBB2_20-.Ltmp12, $4  }
0x23b: {  	v12 =	vor.u32 $0x200, v11;
	[tilespmem:s3+$0xBF30] =	vst.msk vm0, v6  }
0x23c: {  	[tilespmem:s3+$0xBF40] =	vst.msk vm0, v7  }
0x23d: {  	[tilespmem:s3+$0xBF50] =	vst.msk vm0, v8  }
0x23e: {  	[tilespmem:s3+$0xBF60] =	vst.msk vm0, v9  }
.Ltmp13:
0x23f: {  	_ = 	snop;
	(pc) =	sbr.rel .LBB2_21-.Ltmp13, $1  }
0x240: {  	_ =	sdelay $0x3  }
.LBB2_23:
0x241: {  	_ =	sfence.sel $0x180000  }
0x242: {  	[bflag:$0x0] =	sbarrier.arrive $0xFFFF  }
0x243: {  	_ =	strace $0x90000047  }
0x244: {  	s0 =	stileid.u32;
	[bflag:$0x2] =	sbarrier.arrive $0xFFFF  }
0x245: {  	p0 =	sne.s32 s0, $0x0;
	s0 =	rddreg [dreg:$0x7]  }
0x246: {  	s0 =	sadd.s32 @!p0 $0x100000, s0  }
0x247: {  	[sflag:s0] =	ssyncadd.tile.s32 @!p0 $0x1;
	_ =	shalt  }
.Lfunc_end2:
_tile_overlayer_lowered:
.L_overlay_start_2:
0x248: {  	(tag) =	ssettag $0x2  }
0x249: {  	s0 =	rddreg [dreg:$0x0];
	s2 =	stileid.u32  }
0x24a: {  	s1 =	rddreg [dreg:$0x1];
	p0 =	sne.s32 s2, $0x0  }
0x24b: {  	s3 =	rddreg [dreg:$0x2];
	[bflag:$0x3] =	sbarrier.arrive $0xFFFF;
	s2 =	simm.s32 @!p0 $0x1C07  }
0x24c: {  	[timem:s3], [sflag:s2] =	dma.local @!p0 [hbm:s0], s1  }
0x24d: {  	s0 =	simm.s32 @!p0 $0x7  }
0x24e: {  	_ =	swait.ge @!p0 [sflag:s0], s1  }
0x24f: {  	s1 =	ssub.s32 @!p0 $0x0, s1;
	[sflag:s0] =	ssyncset.done @!p0 $0x0  }
0x250: {  	[sflag:s0] =	ssyncadd.s32 @!p0 s1  }
0x251: {  	[bflag:$0x3] =	sbarrier.arrive $0xFFFF  }
0x252: {  	_ =	shalt  }

</sc_bundles>
